<compile_context>
chip_gen: v7x
topology: tpu7x:2x2x1
jax: 0.10.2.dev20260603
libtpu: 0.0.44.dev20260713+nightly
codegen_flags: <defaults>
</compile_context>

<pallas_src>
import functools

import jax
import jax.numpy as jnp
from jax import lax
from jax.experimental import pallas as pl
from jax.experimental.pallas import tpu as pltpu
from jax.experimental.pallas import tpu_sc as plsc

N = 2048
D = 128
B = 4
K = 512
CH = 256


def _score_topk_kernel(h_ref, sf_ref, hs_ref, gidx_ref):
    b = pl.program_id(0)
    h = h_ref[0]
    sf = jnp.transpose(sf_ref[0])
    w_col = lax.dot_general(
        h.astype(jnp.bfloat16), sf.astype(jnp.bfloat16),
        (((1,), (0,)), ((), ())),
        preferred_element_type=jnp.float32)
    s_col = jax.nn.sigmoid(w_col)
    hs_ref[0] = h * s_col
    s_row = jnp.transpose(s_col)

    CB = 256
    nch = N // CB
    tri = (lax.broadcasted_iota(jnp.int32, (CB, CB), 1) <
           lax.broadcasted_iota(jnp.int32, (CB, CB), 0))
    ones_col = jnp.ones((CB, 1), jnp.bfloat16)
    ones_row = jnp.ones((1, CB), jnp.bfloat16)
    dn_row = (((1,), (0,)), ((), ()))
    dn_col = (((1,), (0,)), ((), ()))
    col_parts = []
    row_parts = [jnp.zeros((1, CB), jnp.float32) for _ in range(nch)]
    for a in range(nch):
        sa_col = lax.slice(s_col, (a * CB, 0), ((a + 1) * CB, 1))
        sa_row = lax.slice(s_row, (0, a * CB), (1, (a + 1) * CB))
        g = ((sa_row > sa_col) | ((sa_row == sa_col) & tri)).astype(
            jnp.bfloat16)
        acc_a = lax.dot_general(g, ones_col, dn_row,
                                preferred_element_type=jnp.float32)
        for bb in range(a + 1, nch):
            sb_row = lax.slice(s_row, (0, bb * CB), (1, (bb + 1) * CB))
            G = (sb_row > sa_col).astype(jnp.bfloat16)
            acc_a = acc_a + lax.dot_general(
                G, ones_col, dn_row, preferred_element_type=jnp.float32)
            row_parts[bb] = row_parts[bb] + (
                CB - lax.dot_general(ones_row, G, dn_col,
                                     preferred_element_type=jnp.float32))
        col_parts.append(acc_a)
    rank_col = (jnp.concatenate(col_parts, axis=0) +
                jnp.transpose(jnp.concatenate(row_parts, axis=1)))

    r_row = lax.broadcasted_iota(jnp.int32, (1, K), 1).astype(jnp.float32)
    li_row = lax.broadcasted_iota(jnp.int32, (1, CH), 1).astype(jnp.bfloat16)
    acc = jnp.zeros((1, K), jnp.float32)
    for c in range(N // CH):
        rk = lax.slice(rank_col, (c * CH, 0), ((c + 1) * CH, 1))
        onehot = (rk == r_row).astype(jnp.bfloat16)
        cnt = lax.dot_general(ones_row, onehot, dn_col,
                              preferred_element_type=jnp.float32)
        lid = lax.dot_general(li_row, onehot, dn_col,
                              preferred_element_type=jnp.float32)
        base = (b * N + c * CH).astype(jnp.float32)
        acc = acc + base * cnt + lid
    gidx_ref[0] = acc.astype(jnp.int32)


def _score_topk(h, sf):
    return pl.pallas_call(
        _score_topk_kernel,
        grid=(B,),
        in_specs=[
            pl.BlockSpec((1, N, D), lambda b: (b, 0, 0)),
            pl.BlockSpec((1, 1, D), lambda b: (b, 0, 0)),
        ],
        out_specs=[
            pl.BlockSpec((1, N, D), lambda b: (b, 0, 0)),
            pl.BlockSpec((1, 1, K), lambda b: (b, 0, 0)),
        ],
        out_shape=[
            jax.ShapeDtypeStruct((B, N, D), jnp.float32),
            jax.ShapeDtypeStruct((B, 1, K), jnp.int32),
        ],
    )(h, sf)



NC = 2
NS = 16
NW = NC * NS
ROWS_PER_W = (B * K) // NW
GCHUNK = 16
NBUF = 3


def _gather_kernel(g1_hbm, hs_hbm, idx_hbm, outg_hbm, outh_hbm,
                   idx_v, gbuf, hbuf, gsem, hsem, wgsem, whsem):
    wid = lax.axis_index("s") * NC + lax.axis_index("c")
    base = wid * ROWS_PER_W
    nch = ROWS_PER_W // GCHUNK
    pltpu.sync_copy(idx_hbm.at[pl.ds(base, ROWS_PER_W)], idx_v)
    gc = [None] * nch
    hc = [None] * nch
    wg = [None] * nch
    wh = [None] * nch

    def start_gather(k):
        sl = idx_v.at[pl.ds(k * GCHUNK, GCHUNK)]
        gc[k] = pltpu.async_copy(g1_hbm.at[sl], gbuf[k % NBUF], gsem)
        hc[k] = pltpu.async_copy(hs_hbm.at[sl], hbuf[k % NBUF], hsem)

    for k in range(NBUF):
        start_gather(k)
    waited = set()
    for k in range(nch):
        gc[k].wait()
        hc[k].wait()
        dst = pl.ds(base + k * GCHUNK, GCHUNK)
        wg[k] = pltpu.async_copy(gbuf[k % NBUF], outg_hbm.at[dst], wgsem)
        wh[k] = pltpu.async_copy(hbuf[k % NBUF], outh_hbm.at[dst], whsem)
        if k + NBUF < nch:
            wg[k].wait()
            wh[k].wait()
            waited.add(k)
            start_gather(k + NBUF)
    for k in range(nch):
        if k not in waited:
            wg[k].wait()
            wh[k].wait()


def _gather(g1_flat, hs_flat, gidx):
    mesh = plsc.VectorSubcoreMesh(core_axis_name="c", subcore_axis_name="s")
    fn = functools.partial(
        pl.kernel,
        mesh=mesh,
        out_type=[
            jax.ShapeDtypeStruct((B * K, N), jnp.float32),
            jax.ShapeDtypeStruct((B * K, D), jnp.float32),
        ],
        scratch_types=[
            pltpu.VMEM((ROWS_PER_W,), jnp.int32),
            [pltpu.VMEM((GCHUNK, N), jnp.float32) for _ in range(NBUF)],
            [pltpu.VMEM((GCHUNK, D), jnp.float32) for _ in range(NBUF)],
            pltpu.SemaphoreType.DMA,
            pltpu.SemaphoreType.DMA,
            pltpu.SemaphoreType.DMA,
            pltpu.SemaphoreType.DMA,
        ],
    )(_gather_kernel)
    return fn(g1_flat, hs_flat, gidx)


def kernel(g1, h, section_feature):
    hs, gidx = _score_topk(h, section_feature)
    g1_flat = g1.reshape(B * N, N)
    hs_flat = hs.reshape(B * N, D)
    new_g, new_h = _gather(g1_flat, hs_flat, gidx.reshape(B * K))
    return new_g.reshape(B, K, N), new_h.reshape(B, K, D)

# --- scband reference (transcript-rebuilt; emitter-appended) ---
"""Pipeline reference for scband-pool1-80135499809386 (READ-ONLY COPY).

The authoritative reference and input builder live on the scoring server;
editing this copy changes nothing except your own understanding.
"""

import jax, jax.numpy as jnp
import numpy as np

K = 512

def setup_inputs(seed: int = 0) -> dict:
    key = jax.random.key(seed)
    k1, k2, k3 = jax.random.split(key, 3)
    g1 = jax.random.uniform(k1, (4, 2048, 2048), dtype=jnp.float32)
    h = jax.random.normal(k2, (4, 2048, 128), dtype=jnp.float32)
    section_feature = jax.random.normal(k3, (4, 1, 128), dtype=jnp.float32)
    return {"g1": g1, "h": h, "section_feature": section_feature}

def reference(g1, h, section_feature):
    # Z = drop(h) with p=0 is identity and unused downstream (weights use h)
    weights = jnp.matmul(h, jnp.transpose(section_feature, (0, 2, 1)))[:, :, 0]  # [4, N]
    scores = jax.nn.sigmoid(weights)
    values, idx = jax.lax.top_k(scores, max(2, K))  # [4, k]
    # gather selected node features per batch element
    new_h = jnp.take_along_axis(h, idx[:, :, None], axis=1)  # [4, k, d]
    new_h = new_h * values[:, :, None]
    # gather selected adjacency rows per batch element
    new_g = jnp.take_along_axis(g1, idx[:, :, None], axis=1)  # [4, k, N]
    return (new_g, new_h)

if __name__ == "__main__":
    import jax
    _d = setup_inputs()
    print(jax.jit(kernel)(*tuple(_d.values())))

</pallas_src>

<mosaic_0001>
#map = affine_map<(d0, d1) -> (0, 0)>
#map1 = affine_map<(d0, d1) -> (0)>
module attributes {stable_mosaic.version = 14 : i64} {
  func.func @_gather_kernel(%arg0: i32, %arg1: i32, %arg2: memref<8192x2048xf32, #tpu.memory_space<hbm>>, %arg3: memref<8192x128xf32, #tpu.memory_space<hbm>>, %arg4: memref<2048xi32, #tpu.memory_space<hbm>>, %arg5: memref<2048x2048xf32, #tpu.memory_space<hbm>>, %arg6: memref<2048x128xf32, #tpu.memory_space<hbm>>, %arg7: memref<64xi32, #tpu.memory_space<vmem>>, %arg8: memref<16x2048xf32, #tpu.memory_space<vmem>>, %arg9: memref<16x2048xf32, #tpu.memory_space<vmem>>, %arg10: memref<16x2048xf32, #tpu.memory_space<vmem>>, %arg11: memref<16x128xf32, #tpu.memory_space<vmem>>, %arg12: memref<16x128xf32, #tpu.memory_space<vmem>>, %arg13: memref<16x128xf32, #tpu.memory_space<vmem>>, %arg14: memref<!tpu.dma_semaphore, #tpu.memory_space<semaphore_mem>>, %arg15: memref<!tpu.dma_semaphore, #tpu.memory_space<semaphore_mem>>, %arg16: memref<!tpu.dma_semaphore, #tpu.memory_space<semaphore_mem>>, %arg17: memref<!tpu.dma_semaphore, #tpu.memory_space<semaphore_mem>>) attributes {dimension_semantics = [#tpu.dimension_semantics<core_parallel>, #tpu.dimension_semantics<subcore_parallel>], iteration_bounds = array<i64: 2, 16>, scalar_prefetch = 0 : i64, scratch_operands = 11 : i64, tpu.core_type = #tpu.core_type<sc_vector_subcore>, window_params = [{transform_indices = #map}, {transform_indices = #map}, {transform_indices = #map1}, {transform_indices = #map}, {transform_indices = #map}]} {
    %mul3A = arith.constant 2 : i32
    %mul3A_0 = arith.muli %arg1, %mul3A : i32
    %add3A = arith.addi %mul3A_0, %arg0 : i32
    %mul3A_1 = arith.constant 64 : i32
    %mul3A_2 = arith.muli %add3A, %mul3A_1 : i32
    "tpu.region"() ({
      %run_scoped3A = tpu.sem_alloc : memref<!tpu.dma_semaphore, #tpu.memory_space<semaphore_mem>>
      %dma_start3A_153 = tpu.memref_slice %arg4[%mul3A_2] : memref<2048xi32, #tpu.memory_space<hbm>> -> memref<64xi32, #tpu.memory_space<hbm>>
      %dma_start3A_154 = tpu.memref_slice %arg4[%mul3A_2] : memref<2048xi32, #tpu.memory_space<hbm>> -> memref<64xi32, #tpu.memory_space<hbm>>
      tpu.enqueue_dma source(%dma_start3A_154 : memref<64xi32, #tpu.memory_space<hbm>>) target(%arg7 : memref<64xi32, #tpu.memory_space<vmem>>) target_semaphore(%run_scoped3A : memref<!tpu.dma_semaphore, #tpu.memory_space<semaphore_mem>>)
      %dma_wait3A_155 = tpu.memref_slice %arg4[%mul3A_2] : memref<2048xi32, #tpu.memory_space<hbm>> -> memref<64xi32, #tpu.memory_space<hbm>>
      %dma_wait3A_156 = tpu.memref_slice %arg4[%mul3A_2] : memref<2048xi32, #tpu.memory_space<hbm>> -> memref<64xi32, #tpu.memory_space<hbm>>
      tpu.wait_dma2 semaphore(%run_scoped3A : memref<!tpu.dma_semaphore, #tpu.memory_space<semaphore_mem>>) src(%dma_wait3A_156 : memref<64xi32, #tpu.memory_space<hbm>>) dst(%arg7 : memref<64xi32, #tpu.memory_space<vmem>>)
      tpu.yield
    }) : () -> ()
    %dma_start3A = arith.constant 0 : i32
    %dma_start3A_3 = tpu.memref_slice %arg7[%dma_start3A] : memref<64xi32, #tpu.memory_space<vmem>> -> memref<16xi32, #tpu.memory_space<vmem>>
    %dma_start3A_4 = arith.constant 0 : i32
    %dma_start3A_5 = arith.constant 0 : i32
    %dma_start3A_6 = tpu.memref_slice %arg2[%dma_start3A_4, %dma_start3A_5] : memref<8192x2048xf32, #tpu.memory_space<hbm>> -> memref<8192x2048xf32, #tpu.memory_space<hbm>>
    tpu.enqueue_indirect_dma source(%dma_start3A_6 : memref<8192x2048xf32, #tpu.memory_space<hbm>>) target(%arg8 : memref<16x2048xf32, #tpu.memory_space<vmem>>) offsets(%dma_start3A_3 : memref<16xi32, #tpu.memory_space<vmem>>) semaphore(%arg14 : memref<!tpu.dma_semaphore, #tpu.memory_space<semaphore_mem>>)
    %dma_start3A_7 = arith.constant 0 : i32
    %dma_start3A_8 = tpu.memref_slice %arg7[%dma_start3A_7] : memref<64xi32, #tpu.memory_space<vmem>> -> memref<16xi32, #tpu.memory_space<vmem>>
    %dma_start3A_9 = arith.constant 0 : i32
    %dma_start3A_10 = arith.constant 0 : i32
    %dma_start3A_11 = tpu.memref_slice %arg3[%dma_start3A_9, %dma_start3A_10] : memref<8192x128xf32, #tpu.memory_space<hbm>> -> memref<8192x128xf32, #tpu.memory_space<hbm>>
    tpu.enqueue_indirect_dma source(%dma_start3A_11 : memref<8192x128xf32, #tpu.memory_space<hbm>>) target(%arg11 : memref<16x128xf32, #tpu.memory_space<vmem>>) offsets(%dma_start3A_8 : memref<16xi32, #tpu.memory_space<vmem>>) semaphore(%arg15 : memref<!tpu.dma_semaphore, #tpu.memory_space<semaphore_mem>>)
    %dma_start3A_12 = arith.constant 16 : i32
    %dma_start3A_13 = tpu.memref_slice %arg7[%dma_start3A_12] : memref<64xi32, #tpu.memory_space<vmem>> -> memref<16xi32, #tpu.memory_space<vmem>>
    %dma_start3A_14 = arith.constant 0 : i32
    %dma_start3A_15 = arith.constant 0 : i32
    %dma_start3A_16 = tpu.memref_slice %arg2[%dma_start3A_14, %dma_start3A_15] : memref<8192x2048xf32, #tpu.memory_space<hbm>> -> memref<8192x2048xf32, #tpu.memory_space<hbm>>
    tpu.enqueue_indirect_dma source(%dma_start3A_16 : memref<8192x2048xf32, #tpu.memory_space<hbm>>) target(%arg9 : memref<16x2048xf32, #tpu.memory_space<vmem>>) offsets(%dma_start3A_13 : memref<16xi32, #tpu.memory_space<vmem>>) semaphore(%arg14 : memref<!tpu.dma_semaphore, #tpu.memory_space<semaphore_mem>>)
    %dma_start3A_17 = arith.constant 16 : i32
    %dma_start3A_18 = tpu.memref_slice %arg7[%dma_start3A_17] : memref<64xi32, #tpu.memory_space<vmem>> -> memref<16xi32, #tpu.memory_space<vmem>>
    %dma_start3A_19 = arith.constant 0 : i32
    %dma_start3A_20 = arith.constant 0 : i32
    %dma_start3A_21 = tpu.memref_slice %arg3[%dma_start3A_19, %dma_start3A_20] : memref<8192x128xf32, #tpu.memory_space<hbm>> -> memref<8192x128xf32, #tpu.memory_space<hbm>>
    tpu.enqueue_indirect_dma source(%dma_start3A_21 : memref<8192x128xf32, #tpu.memory_space<hbm>>) target(%arg12 : memref<16x128xf32, #tpu.memory_space<vmem>>) offsets(%dma_start3A_18 : memref<16xi32, #tpu.memory_space<vmem>>) semaphore(%arg15 : memref<!tpu.dma_semaphore, #tpu.memory_space<semaphore_mem>>)
    %dma_start3A_22 = arith.constant 32 : i32
    %dma_start3A_23 = tpu.memref_slice %arg7[%dma_start3A_22] : memref<64xi32, #tpu.memory_space<vmem>> -> memref<16xi32, #tpu.memory_space<vmem>>
    %dma_start3A_24 = arith.constant 0 : i32
    %dma_start3A_25 = arith.constant 0 : i32
    %dma_start3A_26 = tpu.memref_slice %arg2[%dma_start3A_24, %dma_start3A_25] : memref<8192x2048xf32, #tpu.memory_space<hbm>> -> memref<8192x2048xf32, #tpu.memory_space<hbm>>
    tpu.enqueue_indirect_dma source(%dma_start3A_26 : memref<8192x2048xf32, #tpu.memory_space<hbm>>) target(%arg10 : memref<16x2048xf32, #tpu.memory_space<vmem>>) offsets(%dma_start3A_23 : memref<16xi32, #tpu.memory_space<vmem>>) semaphore(%arg14 : memref<!tpu.dma_semaphore, #tpu.memory_space<semaphore_mem>>)
    %dma_start3A_27 = arith.constant 32 : i32
    %dma_start3A_28 = tpu.memref_slice %arg7[%dma_start3A_27] : memref<64xi32, #tpu.memory_space<vmem>> -> memref<16xi32, #tpu.memory_space<vmem>>
    %dma_start3A_29 = arith.constant 0 : i32
    %dma_start3A_30 = arith.constant 0 : i32
    %dma_start3A_31 = tpu.memref_slice %arg3[%dma_start3A_29, %dma_start3A_30] : memref<8192x128xf32, #tpu.memory_space<hbm>> -> memref<8192x128xf32, #tpu.memory_space<hbm>>
    tpu.enqueue_indirect_dma source(%dma_start3A_31 : memref<8192x128xf32, #tpu.memory_space<hbm>>) target(%arg13 : memref<16x128xf32, #tpu.memory_space<vmem>>) offsets(%dma_start3A_28 : memref<16xi32, #tpu.memory_space<vmem>>) semaphore(%arg15 : memref<!tpu.dma_semaphore, #tpu.memory_space<semaphore_mem>>)
    %dma_wait3A = arith.constant 0 : i32
    %dma_wait3A_32 = tpu.memref_slice %arg7[%dma_wait3A] : memref<64xi32, #tpu.memory_space<vmem>> -> memref<16xi32, #tpu.memory_space<vmem>>
    %dma_wait3A_33 = arith.constant 0 : i32
    %dma_wait3A_34 = arith.constant 0 : i32
    %dma_wait3A_35 = tpu.memref_slice %arg2[%dma_wait3A_33, %dma_wait3A_34] : memref<8192x2048xf32, #tpu.memory_space<hbm>> -> memref<8192x2048xf32, #tpu.memory_space<hbm>>
    tpu.wait_indirect_dma semaphore(%arg14 : memref<!tpu.dma_semaphore, #tpu.memory_space<semaphore_mem>>) src(%dma_wait3A_35 : memref<8192x2048xf32, #tpu.memory_space<hbm>>) dst(%arg8 : memref<16x2048xf32, #tpu.memory_space<vmem>>)
    %dma_wait3A_36 = arith.constant 0 : i32
    %dma_wait3A_37 = tpu.memref_slice %arg7[%dma_wait3A_36] : memref<64xi32, #tpu.memory_space<vmem>> -> memref<16xi32, #tpu.memory_space<vmem>>
    %dma_wait3A_38 = arith.constant 0 : i32
    %dma_wait3A_39 = arith.constant 0 : i32
    %dma_wait3A_40 = tpu.memref_slice %arg3[%dma_wait3A_38, %dma_wait3A_39] : memref<8192x128xf32, #tpu.memory_space<hbm>> -> memref<8192x128xf32, #tpu.memory_space<hbm>>
    tpu.wait_indirect_dma semaphore(%arg15 : memref<!tpu.dma_semaphore, #tpu.memory_space<semaphore_mem>>) src(%dma_wait3A_40 : memref<8192x128xf32, #tpu.memory_space<hbm>>) dst(%arg11 : memref<16x128xf32, #tpu.memory_space<vmem>>)
    %add3A_41 = arith.constant 0 : i32
    %add3A_42 = arith.addi %mul3A_2, %add3A_41 : i32
    %dma_start3A_43 = arith.constant 0 : i32
    %dma_start3A_44 = tpu.memref_slice %arg5[%add3A_42, %dma_start3A_43] : memref<2048x2048xf32, #tpu.memory_space<hbm>> -> memref<16x2048xf32, #tpu.memory_space<hbm>>
    %dma_start3A_45 = arith.constant 0 : i32
    %dma_start3A_46 = tpu.memref_slice %arg5[%add3A_42, %dma_start3A_45] : memref<2048x2048xf32, #tpu.memory_space<hbm>> -> memref<16x2048xf32, #tpu.memory_space<hbm>>
    tpu.enqueue_dma source(%arg8 : memref<16x2048xf32, #tpu.memory_space<vmem>>) target(%dma_start3A_46 : memref<16x2048xf32, #tpu.memory_space<hbm>>) target_semaphore(%arg16 : memref<!tpu.dma_semaphore, #tpu.memory_space<semaphore_mem>>)
    %dma_start3A_47 = arith.constant 0 : i32
    %dma_start3A_48 = tpu.memref_slice %arg6[%add3A_42, %dma_start3A_47] : memref<2048x128xf32, #tpu.memory_space<hbm>> -> memref<16x128xf32, #tpu.memory_space<hbm>>
    %dma_start3A_49 = arith.constant 0 : i32
    %dma_start3A_50 = tpu.memref_slice %arg6[%add3A_42, %dma_start3A_49] : memref<2048x128xf32, #tpu.memory_space<hbm>> -> memref<16x128xf32, #tpu.memory_space<hbm>>
    tpu.enqueue_dma source(%arg11 : memref<16x128xf32, #tpu.memory_space<vmem>>) target(%dma_start3A_50 : memref<16x128xf32, #tpu.memory_space<hbm>>) target_semaphore(%arg17 : memref<!tpu.dma_semaphore, #tpu.memory_space<semaphore_mem>>)
    %dma_wait3A_51 = arith.constant 0 : i32
    %dma_wait3A_52 = tpu.memref_slice %arg5[%add3A_42, %dma_wait3A_51] : memref<2048x2048xf32, #tpu.memory_space<hbm>> -> memref<16x2048xf32, #tpu.memory_space<hbm>>
    %dma_wait3A_53 = arith.constant 0 : i32
    %dma_wait3A_54 = tpu.memref_slice %arg5[%add3A_42, %dma_wait3A_53] : memref<2048x2048xf32, #tpu.memory_space<hbm>> -> memref<16x2048xf32, #tpu.memory_space<hbm>>
    tpu.wait_dma2 semaphore(%arg16 : memref<!tpu.dma_semaphore, #tpu.memory_space<semaphore_mem>>) src(%arg8 : memref<16x2048xf32, #tpu.memory_space<vmem>>) dst(%dma_wait3A_54 : memref<16x2048xf32, #tpu.memory_space<hbm>>)
    %dma_wait3A_55 = arith.constant 0 : i32
    %dma_wait3A_56 = tpu.memref_slice %arg6[%add3A_42, %dma_wait3A_55] : memref<2048x128xf32, #tpu.memory_space<hbm>> -> memref<16x128xf32, #tpu.memory_space<hbm>>
    %dma_wait3A_57 = arith.constant 0 : i32
    %dma_wait3A_58 = tpu.memref_slice %arg6[%add3A_42, %dma_wait3A_57] : memref<2048x128xf32, #tpu.memory_space<hbm>> -> memref<16x128xf32, #tpu.memory_space<hbm>>
    tpu.wait_dma2 semaphore(%arg17 : memref<!tpu.dma_semaphore, #tpu.memory_space<semaphore_mem>>) src(%arg11 : memref<16x128xf32, #tpu.memory_space<vmem>>) dst(%dma_wait3A_58 : memref<16x128xf32, #tpu.memory_space<hbm>>)
    %dma_start3A_59 = arith.constant 48 : i32
    %dma_start3A_60 = tpu.memref_slice %arg7[%dma_start3A_59] : memref<64xi32, #tpu.memory_space<vmem>> -> memref<16xi32, #tpu.memory_space<vmem>>
    %dma_start3A_61 = arith.constant 0 : i32
    %dma_start3A_62 = arith.constant 0 : i32
    %dma_start3A_63 = tpu.memref_slice %arg2[%dma_start3A_61, %dma_start3A_62] : memref<8192x2048xf32, #tpu.memory_space<hbm>> -> memref<8192x2048xf32, #tpu.memory_space<hbm>>
    tpu.enqueue_indirect_dma source(%dma_start3A_63 : memref<8192x2048xf32, #tpu.memory_space<hbm>>) target(%arg8 : memref<16x2048xf32, #tpu.memory_space<vmem>>) offsets(%dma_start3A_60 : memref<16xi32, #tpu.memory_space<vmem>>) semaphore(%arg14 : memref<!tpu.dma_semaphore, #tpu.memory_space<semaphore_mem>>)
    %dma_start3A_64 = arith.constant 48 : i32
    %dma_start3A_65 = tpu.memref_slice %arg7[%dma_start3A_64] : memref<64xi32, #tpu.memory_space<vmem>> -> memref<16xi32, #tpu.memory_space<vmem>>
    %dma_start3A_66 = arith.constant 0 : i32
    %dma_start3A_67 = arith.constant 0 : i32
    %dma_start3A_68 = tpu.memref_slice %arg3[%dma_start3A_66, %dma_start3A_67] : memref<8192x128xf32, #tpu.memory_space<hbm>> -> memref<8192x128xf32, #tpu.memory_space<hbm>>
    tpu.enqueue_indirect_dma source(%dma_start3A_68 : memref<8192x128xf32, #tpu.memory_space<hbm>>) target(%arg11 : memref<16x128xf32, #tpu.memory_space<vmem>>) offsets(%dma_start3A_65 : memref<16xi32, #tpu.memory_space<vmem>>) semaphore(%arg15 : memref<!tpu.dma_semaphore, #tpu.memory_space<semaphore_mem>>)
    %dma_wait3A_69 = arith.constant 16 : i32
    %dma_wait3A_70 = tpu.memref_slice %arg7[%dma_wait3A_69] : memref<64xi32, #tpu.memory_space<vmem>> -> memref<16xi32, #tpu.memory_space<vmem>>
    %dma_wait3A_71 = arith.constant 0 : i32
    %dma_wait3A_72 = arith.constant 0 : i32
    %dma_wait3A_73 = tpu.memref_slice %arg2[%dma_wait3A_71, %dma_wait3A_72] : memref<8192x2048xf32, #tpu.memory_space<hbm>> -> memref<8192x2048xf32, #tpu.memory_space<hbm>>
    tpu.wait_indirect_dma semaphore(%arg14 : memref<!tpu.dma_semaphore, #tpu.memory_space<semaphore_mem>>) src(%dma_wait3A_73 : memref<8192x2048xf32, #tpu.memory_space<hbm>>) dst(%arg9 : memref<16x2048xf32, #tpu.memory_space<vmem>>)
    %dma_wait3A_74 = arith.constant 16 : i32
    %dma_wait3A_75 = tpu.memref_slice %arg7[%dma_wait3A_74] : memref<64xi32, #tpu.memory_space<vmem>> -> memref<16xi32, #tpu.memory_space<vmem>>
    %dma_wait3A_76 = arith.constant 0 : i32
    %dma_wait3A_77 = arith.constant 0 : i32
    %dma_wait3A_78 = tpu.memref_slice %arg3[%dma_wait3A_76, %dma_wait3A_77] : memref<8192x128xf32, #tpu.memory_space<hbm>> -> memref<8192x128xf32, #tpu.memory_space<hbm>>
    tpu.wait_indirect_dma semaphore(%arg15 : memref<!tpu.dma_semaphore, #tpu.memory_space<semaphore_mem>>) src(%dma_wait3A_78 : memref<8192x128xf32, #tpu.memory_space<hbm>>) dst(%arg12 : memref<16x128xf32, #tpu.memory_space<vmem>>)
    %add3A_79 = arith.constant 16 : i32
    %add3A_80 = arith.addi %mul3A_2, %add3A_79 : i32
    %dma_start3A_81 = arith.constant 0 : i32
    %dma_start3A_82 = tpu.memref_slice %arg5[%add3A_80, %dma_start3A_81] : memref<2048x2048xf32, #tpu.memory_space<hbm>> -> memref<16x2048xf32, #tpu.memory_space<hbm>>
    %dma_start3A_83 = arith.constant 0 : i32
    %dma_start3A_84 = tpu.memref_slice %arg5[%add3A_80, %dma_start3A_83] : memref<2048x2048xf32, #tpu.memory_space<hbm>> -> memref<16x2048xf32, #tpu.memory_space<hbm>>
    tpu.enqueue_dma source(%arg9 : memref<16x2048xf32, #tpu.memory_space<vmem>>) target(%dma_start3A_84 : memref<16x2048xf32, #tpu.memory_space<hbm>>) target_semaphore(%arg16 : memref<!tpu.dma_semaphore, #tpu.memory_space<semaphore_mem>>)
    %dma_start3A_85 = arith.constant 0 : i32
    %dma_start3A_86 = tpu.memref_slice %arg6[%add3A_80, %dma_start3A_85] : memref<2048x128xf32, #tpu.memory_space<hbm>> -> memref<16x128xf32, #tpu.memory_space<hbm>>
    %dma_start3A_87 = arith.constant 0 : i32
    %dma_start3A_88 = tpu.memref_slice %arg6[%add3A_80, %dma_start3A_87] : memref<2048x128xf32, #tpu.memory_space<hbm>> -> memref<16x128xf32, #tpu.memory_space<hbm>>
    tpu.enqueue_dma source(%arg12 : memref<16x128xf32, #tpu.memory_space<vmem>>) target(%dma_start3A_88 : memref<16x128xf32, #tpu.memory_space<hbm>>) target_semaphore(%arg17 : memref<!tpu.dma_semaphore, #tpu.memory_space<semaphore_mem>>)
    %dma_wait3A_89 = arith.constant 32 : i32
    %dma_wait3A_90 = tpu.memref_slice %arg7[%dma_wait3A_89] : memref<64xi32, #tpu.memory_space<vmem>> -> memref<16xi32, #tpu.memory_space<vmem>>
    %dma_wait3A_91 = arith.constant 0 : i32
    %dma_wait3A_92 = arith.constant 0 : i32
    %dma_wait3A_93 = tpu.memref_slice %arg2[%dma_wait3A_91, %dma_wait3A_92] : memref<8192x2048xf32, #tpu.memory_space<hbm>> -> memref<8192x2048xf32, #tpu.memory_space<hbm>>
    tpu.wait_indirect_dma semaphore(%arg14 : memref<!tpu.dma_semaphore, #tpu.memory_space<semaphore_mem>>) src(%dma_wait3A_93 : memref<8192x2048xf32, #tpu.memory_space<hbm>>) dst(%arg10 : memref<16x2048xf32, #tpu.memory_space<vmem>>)
    %dma_wait3A_94 = arith.constant 32 : i32
    %dma_wait3A_95 = tpu.memref_slice %arg7[%dma_wait3A_94] : memref<64xi32, #tpu.memory_space<vmem>> -> memref<16xi32, #tpu.memory_space<vmem>>
    %dma_wait3A_96 = arith.constant 0 : i32
    %dma_wait3A_97 = arith.constant 0 : i32
    %dma_wait3A_98 = tpu.memref_slice %arg3[%dma_wait3A_96, %dma_wait3A_97] : memref<8192x128xf32, #tpu.memory_space<hbm>> -> memref<8192x128xf32, #tpu.memory_space<hbm>>
    tpu.wait_indirect_dma semaphore(%arg15 : memref<!tpu.dma_semaphore, #tpu.memory_space<semaphore_mem>>) src(%dma_wait3A_98 : memref<8192x128xf32, #tpu.memory_space<hbm>>) dst(%arg13 : memref<16x128xf32, #tpu.memory_space<vmem>>)
    %add3A_99 = arith.constant 32 : i32
    %add3A_100 = arith.addi %mul3A_2, %add3A_99 : i32
    %dma_start3A_101 = arith.constant 0 : i32
    %dma_start3A_102 = tpu.memref_slice %arg5[%add3A_100, %dma_start3A_101] : memref<2048x2048xf32, #tpu.memory_space<hbm>> -> memref<16x2048xf32, #tpu.memory_space<hbm>>
    %dma_start3A_103 = arith.constant 0 : i32
    %dma_start3A_104 = tpu.memref_slice %arg5[%add3A_100, %dma_start3A_103] : memref<2048x2048xf32, #tpu.memory_space<hbm>> -> memref<16x2048xf32, #tpu.memory_space<hbm>>
    tpu.enqueue_dma source(%arg10 : memref<16x2048xf32, #tpu.memory_space<vmem>>) target(%dma_start3A_104 : memref<16x2048xf32, #tpu.memory_space<hbm>>) target_semaphore(%arg16 : memref<!tpu.dma_semaphore, #tpu.memory_space<semaphore_mem>>)
    %dma_start3A_105 = arith.constant 0 : i32
    %dma_start3A_106 = tpu.memref_slice %arg6[%add3A_100, %dma_start3A_105] : memref<2048x128xf32, #tpu.memory_space<hbm>> -> memref<16x128xf32, #tpu.memory_space<hbm>>
    %dma_start3A_107 = arith.constant 0 : i32
    %dma_start3A_108 = tpu.memref_slice %arg6[%add3A_100, %dma_start3A_107] : memref<2048x128xf32, #tpu.memory_space<hbm>> -> memref<16x128xf32, #tpu.memory_space<hbm>>
    tpu.enqueue_dma source(%arg13 : memref<16x128xf32, #tpu.memory_space<vmem>>) target(%dma_start3A_108 : memref<16x128xf32, #tpu.memory_space<hbm>>) target_semaphore(%arg17 : memref<!tpu.dma_semaphore, #tpu.memory_space<semaphore_mem>>)
    %dma_wait3A_109 = arith.constant 48 : i32
    %dma_wait3A_110 = tpu.memref_slice %arg7[%dma_wait3A_109] : memref<64xi32, #tpu.memory_space<vmem>> -> memref<16xi32, #tpu.memory_space<vmem>>
    %dma_wait3A_111 = arith.constant 0 : i32
    %dma_wait3A_112 = arith.constant 0 : i32
    %dma_wait3A_113 = tpu.memref_slice %arg2[%dma_wait3A_111, %dma_wait3A_112] : memref<8192x2048xf32, #tpu.memory_space<hbm>> -> memref<8192x2048xf32, #tpu.memory_space<hbm>>
    tpu.wait_indirect_dma semaphore(%arg14 : memref<!tpu.dma_semaphore, #tpu.memory_space<semaphore_mem>>) src(%dma_wait3A_113 : memref<8192x2048xf32, #tpu.memory_space<hbm>>) dst(%arg8 : memref<16x2048xf32, #tpu.memory_space<vmem>>)
    %dma_wait3A_114 = arith.constant 48 : i32
    %dma_wait3A_115 = tpu.memref_slice %arg7[%dma_wait3A_114] : memref<64xi32, #tpu.memory_space<vmem>> -> memref<16xi32, #tpu.memory_space<vmem>>
    %dma_wait3A_116 = arith.constant 0 : i32
    %dma_wait3A_117 = arith.constant 0 : i32
    %dma_wait3A_118 = tpu.memref_slice %arg3[%dma_wait3A_116, %dma_wait3A_117] : memref<8192x128xf32, #tpu.memory_space<hbm>> -> memref<8192x128xf32, #tpu.memory_space<hbm>>
    tpu.wait_indirect_dma semaphore(%arg15 : memref<!tpu.dma_semaphore, #tpu.memory_space<semaphore_mem>>) src(%dma_wait3A_118 : memref<8192x128xf32, #tpu.memory_space<hbm>>) dst(%arg11 : memref<16x128xf32, #tpu.memory_space<vmem>>)
    %add3A_119 = arith.constant 48 : i32
    %add3A_120 = arith.addi %mul3A_2, %add3A_119 : i32
    %dma_start3A_121 = arith.constant 0 : i32
    %dma_start3A_122 = tpu.memref_slice %arg5[%add3A_120, %dma_start3A_121] : memref<2048x2048xf32, #tpu.memory_space<hbm>> -> memref<16x2048xf32, #tpu.memory_space<hbm>>
    %dma_start3A_123 = arith.constant 0 : i32
    %dma_start3A_124 = tpu.memref_slice %arg5[%add3A_120, %dma_start3A_123] : memref<2048x2048xf32, #tpu.memory_space<hbm>> -> memref<16x2048xf32, #tpu.memory_space<hbm>>
    tpu.enqueue_dma source(%arg8 : memref<16x2048xf32, #tpu.memory_space<vmem>>) target(%dma_start3A_124 : memref<16x2048xf32, #tpu.memory_space<hbm>>) target_semaphore(%arg16 : memref<!tpu.dma_semaphore, #tpu.memory_space<semaphore_mem>>)
    %dma_start3A_125 = arith.constant 0 : i32
    %dma_start3A_126 = tpu.memref_slice %arg6[%add3A_120, %dma_start3A_125] : memref<2048x128xf32, #tpu.memory_space<hbm>> -> memref<16x128xf32, #tpu.memory_space<hbm>>
    %dma_start3A_127 = arith.constant 0 : i32
    %dma_start3A_128 = tpu.memref_slice %arg6[%add3A_120, %dma_start3A_127] : memref<2048x128xf32, #tpu.memory_space<hbm>> -> memref<16x128xf32, #tpu.memory_space<hbm>>
    tpu.enqueue_dma source(%arg11 : memref<16x128xf32, #tpu.memory_space<vmem>>) target(%dma_start3A_128 : memref<16x128xf32, #tpu.memory_space<hbm>>) target_semaphore(%arg17 : memref<!tpu.dma_semaphore, #tpu.memory_space<semaphore_mem>>)
    %dma_wait3A_129 = arith.constant 0 : i32
    %dma_wait3A_130 = tpu.memref_slice %arg5[%add3A_80, %dma_wait3A_129] : memref<2048x2048xf32, #tpu.memory_space<hbm>> -> memref<16x2048xf32, #tpu.memory_space<hbm>>
    %dma_wait3A_131 = arith.constant 0 : i32
    %dma_wait3A_132 = tpu.memref_slice %arg5[%add3A_80, %dma_wait3A_131] : memref<2048x2048xf32, #tpu.memory_space<hbm>> -> memref<16x2048xf32, #tpu.memory_space<hbm>>
    tpu.wait_dma2 semaphore(%arg16 : memref<!tpu.dma_semaphore, #tpu.memory_space<semaphore_mem>>) src(%arg9 : memref<16x2048xf32, #tpu.memory_space<vmem>>) dst(%dma_wait3A_132 : memref<16x2048xf32, #tpu.memory_space<hbm>>)
    %dma_wait3A_133 = arith.constant 0 : i32
    %dma_wait3A_134 = tpu.memref_slice %arg6[%add3A_80, %dma_wait3A_133] : memref<2048x128xf32, #tpu.memory_space<hbm>> -> memref<16x128xf32, #tpu.memory_space<hbm>>
    %dma_wait3A_135 = arith.constant 0 : i32
    %dma_wait3A_136 = tpu.memref_slice %arg6[%add3A_80, %dma_wait3A_135] : memref<2048x128xf32, #tpu.memory_space<hbm>> -> memref<16x128xf32, #tpu.memory_space<hbm>>
    tpu.wait_dma2 semaphore(%arg17 : memref<!tpu.dma_semaphore, #tpu.memory_space<semaphore_mem>>) src(%arg12 : memref<16x128xf32, #tpu.memory_space<vmem>>) dst(%dma_wait3A_136 : memref<16x128xf32, #tpu.memory_space<hbm>>)
    %dma_wait3A_137 = arith.constant 0 : i32
    %dma_wait3A_138 = tpu.memref_slice %arg5[%add3A_100, %dma_wait3A_137] : memref<2048x2048xf32, #tpu.memory_space<hbm>> -> memref<16x2048xf32, #tpu.memory_space<hbm>>
    %dma_wait3A_139 = arith.constant 0 : i32
    %dma_wait3A_140 = tpu.memref_slice %arg5[%add3A_100, %dma_wait3A_139] : memref<2048x2048xf32, #tpu.memory_space<hbm>> -> memref<16x2048xf32, #tpu.memory_space<hbm>>
    tpu.wait_dma2 semaphore(%arg16 : memref<!tpu.dma_semaphore, #tpu.memory_space<semaphore_mem>>) src(%arg10 : memref<16x2048xf32, #tpu.memory_space<vmem>>) dst(%dma_wait3A_140 : memref<16x2048xf32, #tpu.memory_space<hbm>>)
    %dma_wait3A_141 = arith.constant 0 : i32
    %dma_wait3A_142 = tpu.memref_slice %arg6[%add3A_100, %dma_wait3A_141] : memref<2048x128xf32, #tpu.memory_space<hbm>> -> memref<16x128xf32, #tpu.memory_space<hbm>>
    %dma_wait3A_143 = arith.constant 0 : i32
    %dma_wait3A_144 = tpu.memref_slice %arg6[%add3A_100, %dma_wait3A_143] : memref<2048x128xf32, #tpu.memory_space<hbm>> -> memref<16x128xf32, #tpu.memory_space<hbm>>
    tpu.wait_dma2 semaphore(%arg17 : memref<!tpu.dma_semaphore, #tpu.memory_space<semaphore_mem>>) src(%arg13 : memref<16x128xf32, #tpu.memory_space<vmem>>) dst(%dma_wait3A_144 : memref<16x128xf32, #tpu.memory_space<hbm>>)
    %dma_wait3A_145 = arith.constant 0 : i32
    %dma_wait3A_146 = tpu.memref_slice %arg5[%add3A_120, %dma_wait3A_145] : memref<2048x2048xf32, #tpu.memory_space<hbm>> -> memref<16x2048xf32, #tpu.memory_space<hbm>>
    %dma_wait3A_147 = arith.constant 0 : i32
    %dma_wait3A_148 = tpu.memref_slice %arg5[%add3A_120, %dma_wait3A_147] : memref<2048x2048xf32, #tpu.memory_space<hbm>> -> memref<16x2048xf32, #tpu.memory_space<hbm>>
    tpu.wait_dma2 semaphore(%arg16 : memref<!tpu.dma_semaphore, #tpu.memory_space<semaphore_mem>>) src(%arg8 : memref<16x2048xf32, #tpu.memory_space<vmem>>) dst(%dma_wait3A_148 : memref<16x2048xf32, #tpu.memory_space<hbm>>)
    %dma_wait3A_149 = arith.constant 0 : i32
    %dma_wait3A_150 = tpu.memref_slice %arg6[%add3A_120, %dma_wait3A_149] : memref<2048x128xf32, #tpu.memory_space<hbm>> -> memref<16x128xf32, #tpu.memory_space<hbm>>
    %dma_wait3A_151 = arith.constant 0 : i32
    %dma_wait3A_152 = tpu.memref_slice %arg6[%add3A_120, %dma_wait3A_151] : memref<2048x128xf32, #tpu.memory_space<hbm>> -> memref<16x128xf32, #tpu.memory_space<hbm>>
    tpu.wait_dma2 semaphore(%arg17 : memref<!tpu.dma_semaphore, #tpu.memory_space<semaphore_mem>>) src(%arg11 : memref<16x128xf32, #tpu.memory_space<vmem>>) dst(%dma_wait3A_152 : memref<16x128xf32, #tpu.memory_space<hbm>>)
    return
  }
}

module attributes {stable_mosaic.version = 14 : i64} {
  func.func @_score_topk_kernel(%arg0: i32, %arg1: memref<1x2048x128xf32, #tpu.memory_space<vmem>>, %arg2: memref<1x1x128xf32, #tpu.memory_space<vmem>>, %arg3: memref<1x2048x128xf32, #tpu.memory_space<vmem>>, %arg4: memref<1x1x512xi32, #tpu.memory_space<vmem>>) attributes {dimension_semantics = [#tpu.dimension_semantics<arbitrary>], iteration_bounds = array<i64: 4>, scalar_prefetch = 0 : i64, scratch_operands = 0 : i64, tpu.core_type = #tpu.core_type<tc>, window_params = [{transform_indices = @transform_0, window_bounds = array<i64: 1, 2048, 128>}, {transform_indices = @transform_1, window_bounds = array<i64: 1, 1, 128>}, {transform_indices = @transform_2, window_bounds = array<i64: 1, 2048, 128>}, {transform_indices = @transform_3, window_bounds = array<i64: 1, 1, 512>}]} {
    %get3A = arith.constant 0 : index
    %get3A_0 = arith.constant 0 : index
    %get3A_1 = arith.constant 0 : index
    %get3A_2 = vector.load %arg1[%get3A, %get3A_0, %get3A_1] : memref<1x2048x128xf32, #tpu.memory_space<vmem>>, vector<1x2048x128xf32>
    %get3A_3 = vector.shape_cast %get3A_2 : vector<1x2048x128xf32> to vector<2048x128xf32>
    %get3A_4 = arith.constant 0 : index
    %get3A_5 = arith.constant 0 : index
    %get3A_6 = arith.constant 0 : index
    %get3A_7 = vector.load %arg2[%get3A_4, %get3A_5, %get3A_6] : memref<1x1x128xf32, #tpu.memory_space<vmem>>, vector<1x1x128xf32>
    %get3A_8 = vector.shape_cast %get3A_7 : vector<1x1x128xf32> to vector<1x128xf32>
    %transpose3A = tpu.transpose %get3A_8, [1, 0] : vector<1x128xf32> -> vector<128x1xf32>
    %convert_element_type3A = arith.truncf %get3A_3 : vector<2048x128xf32> to vector<2048x128xbf16>
    %convert_element_type3A_9 = arith.truncf %transpose3A : vector<128x1xf32> to vector<128x1xbf16>
    %dot_general3A = arith.constant dense<0.000000e+00> : vector<2048x1xf32>
    %dot_general3A_10 = tpu.matmul %convert_element_type3A, %convert_element_type3A_9, %dot_general3A {dimension_numbers = #tpu.dot_dimension_numbers<[1], [0], [0], [1], [0, 0, 1, 1], [], []>, transpose_lhs_hint = false} : vector<2048x128xbf16>, vector<128x1xbf16>, vector<2048x1xf32> -> vector<2048x1xf32>
    %logistic3A = arith.negf %dot_general3A_10 : vector<2048x1xf32>
    %logistic3A_11 = math.exp %logistic3A : vector<2048x1xf32>
    %logistic3A_12 = arith.constant 1.000000e+00 : f32
    %logistic3A_13 = vector.broadcast %logistic3A_12 : f32 to vector<2048x1xf32>
    %logistic3A_14 = arith.addf %logistic3A_13, %logistic3A_11 : vector<2048x1xf32>
    %logistic3A_15 = arith.divf %logistic3A_13, %logistic3A_14 : vector<2048x1xf32>
    %mul3A = vector.broadcast %logistic3A_15 : vector<2048x1xf32> to vector<2048x128xf32>
    %mul3A_16 = arith.mulf %get3A_3, %mul3A : vector<2048x128xf32>
    %swap3A = arith.constant 0 : index
    %swap3A_17 = arith.constant 0 : index
    %swap3A_18 = arith.constant 0 : index
    %swap3A_19 = vector.load %arg3[%swap3A, %swap3A_17, %swap3A_18] : memref<1x2048x128xf32, #tpu.memory_space<vmem>>, vector<1x2048x128xf32>
    %swap3A_20 = vector.shape_cast %swap3A_19 : vector<1x2048x128xf32> to vector<2048x128xf32>
    %swap3A_21 = vector.shape_cast %mul3A_16 : vector<2048x128xf32> to vector<1x2048x128xf32>
    tpu.vector_store %arg3[%swap3A, %swap3A_17, %swap3A_18], %swap3A_21 {strides = array<i32>} : memref<1x2048x128xf32, #tpu.memory_space<vmem>>, vector<1x2048x128xf32>,
    %transpose3A_22 = tpu.transpose %logistic3A_15, [1, 0] : vector<2048x1xf32> -> vector<1x2048xf32>
    %iota3A = tpu.iota {dimensions = array<i32: 1>} : vector<256x256xi32>
    %iota3A_23 = tpu.iota {dimensions = array<i32: 0>} : vector<256x256xi32>
    %lt3A = arith.cmpi slt, %iota3A, %iota3A_23 : vector<256x256xi32>
    %broadcast_in_dim3A = arith.constant 1.000000e+00 : bf16
    %broadcast_in_dim3A_24 = vector.broadcast %broadcast_in_dim3A : bf16 to vector<256x1xbf16>
    %broadcast_in_dim3A_25 = arith.constant 1.000000e+00 : bf16
    %broadcast_in_dim3A_26 = vector.broadcast %broadcast_in_dim3A_25 : bf16 to vector<1x256xbf16>
    %broadcast_in_dim3A_27 = arith.constant 0.000000e+00 : f32
    %broadcast_in_dim3A_28 = vector.broadcast %broadcast_in_dim3A_27 : f32 to vector<1x256xf32>
    %broadcast_in_dim3A_29 = arith.constant 0.000000e+00 : f32
    %broadcast_in_dim3A_30 = vector.broadcast %broadcast_in_dim3A_29 : f32 to vector<1x256xf32>
    %broadcast_in_dim3A_31 = arith.constant 0.000000e+00 : f32
    %broadcast_in_dim3A_32 = vector.broadcast %broadcast_in_dim3A_31 : f32 to vector<1x256xf32>
    %broadcast_in_dim3A_33 = arith.constant 0.000000e+00 : f32
    %broadcast_in_dim3A_34 = vector.broadcast %broadcast_in_dim3A_33 : f32 to vector<1x256xf32>
    %broadcast_in_dim3A_35 = arith.constant 0.000000e+00 : f32
    %broadcast_in_dim3A_36 = vector.broadcast %broadcast_in_dim3A_35 : f32 to vector<1x256xf32>
    %broadcast_in_dim3A_37 = arith.constant 0.000000e+00 : f32
    %broadcast_in_dim3A_38 = vector.broadcast %broadcast_in_dim3A_37 : f32 to vector<1x256xf32>
    %broadcast_in_dim3A_39 = arith.constant 0.000000e+00 : f32
    %broadcast_in_dim3A_40 = vector.broadcast %broadcast_in_dim3A_39 : f32 to vector<1x256xf32>
    %broadcast_in_dim3A_41 = arith.constant 0.000000e+00 : f32
    %broadcast_in_dim3A_42 = vector.broadcast %broadcast_in_dim3A_41 : f32 to vector<1x256xf32>
    %slice3A = vector.extract_strided_slice %logistic3A_15 {offsets = [0, 0], sizes = [256, 1], strides = [1, 1]} : vector<2048x1xf32> to vector<256x1xf32>
    %slice3A_43 = vector.extract_strided_slice %transpose3A_22 {offsets = [0, 0], sizes = [1, 256], strides = [1, 1]} : vector<1x2048xf32> to vector<1x256xf32>
    %gt3A = vector.broadcast %slice3A_43 : vector<1x256xf32> to vector<256x256xf32>
    %gt3A_44 = vector.broadcast %slice3A : vector<256x1xf32> to vector<256x256xf32>
    %gt3A_45 = arith.cmpf ogt, %gt3A, %gt3A_44 : vector<256x256xf32>
    %eq3A = vector.broadcast %slice3A_43 : vector<1x256xf32> to vector<256x256xf32>
    %eq3A_46 = vector.broadcast %slice3A : vector<256x1xf32> to vector<256x256xf32>
    %eq3A_47 = arith.cmpf oeq, %eq3A, %eq3A_46 : vector<256x256xf32>
    %and3A = arith.andi %eq3A_47, %lt3A : vector<256x256xi1>
    %or3A = arith.ori %gt3A_45, %and3A : vector<256x256xi1>
    %convert_element_type3A_48 = arith.extui %or3A : vector<256x256xi1> to vector<256x256xi32>
    %convert_element_type3A_49 = arith.sitofp %convert_element_type3A_48 : vector<256x256xi32> to vector<256x256xf32>
    %convert_element_type3A_50 = arith.truncf %convert_element_type3A_49 : vector<256x256xf32> to vector<256x256xbf16>
    %dot_general3A_51 = arith.constant dense<0.000000e+00> : vector<256x1xf32>
    %dot_general3A_52 = tpu.matmul %convert_element_type3A_50, %broadcast_in_dim3A_24, %dot_general3A_51 {dimension_numbers = #tpu.dot_dimension_numbers<[1], [0], [0], [1], [0, 0, 1, 1], [], []>, transpose_lhs_hint = false} : vector<256x256xbf16>, vector<256x1xbf16>, vector<256x1xf32> -> vector<256x1xf32>
    %slice3A_53 = vector.extract_strided_slice %transpose3A_22 {offsets = [0, 256], sizes = [1, 256], strides = [1, 1]} : vector<1x2048xf32> to vector<1x256xf32>
    %gt3A_54 = vector.broadcast %slice3A_53 : vector<1x256xf32> to vector<256x256xf32>
    %gt3A_55 = vector.broadcast %slice3A : vector<256x1xf32> to vector<256x256xf32>
    %gt3A_56 = arith.cmpf ogt, %gt3A_54, %gt3A_55 : vector<256x256xf32>
    %convert_element_type3A_57 = arith.extui %gt3A_56 : vector<256x256xi1> to vector<256x256xi32>
    %convert_element_type3A_58 = arith.sitofp %convert_element_type3A_57 : vector<256x256xi32> to vector<256x256xf32>
    %convert_element_type3A_59 = arith.truncf %convert_element_type3A_58 : vector<256x256xf32> to vector<256x256xbf16>
    %dot_general3A_60 = arith.constant dense<0.000000e+00> : vector<256x1xf32>
    %dot_general3A_61 = tpu.matmul %convert_element_type3A_59, %broadcast_in_dim3A_24, %dot_general3A_60 {dimension_numbers = #tpu.dot_dimension_numbers<[1], [0], [0], [1], [0, 0, 1, 1], [], []>, transpose_lhs_hint = false} : vector<256x256xbf16>, vector<256x1xbf16>, vector<256x1xf32> -> vector<256x1xf32>
    %add3A = arith.addf %dot_general3A_52, %dot_general3A_61 : vector<256x1xf32>
    %dot_general3A_62 = arith.constant dense<0.000000e+00> : vector<1x256xf32>
    %dot_general3A_63 = tpu.matmul %broadcast_in_dim3A_26, %convert_element_type3A_59, %dot_general3A_62 {dimension_numbers = #tpu.dot_dimension_numbers<[1], [0], [0], [1], [0, 0, 1, 1], [], []>, transpose_lhs_hint = false} : vector<1x256xbf16>, vector<256x256xbf16>, vector<1x256xf32> -> vector<1x256xf32>
    %sub3A = arith.constant 2.560000e+02 : f32
    %sub3A_64 = vector.broadcast %sub3A : f32 to vector<1x256xf32>
    %sub3A_65 = arith.subf %sub3A_64, %dot_general3A_63 : vector<1x256xf32>
    %add3A_66 = arith.addf %broadcast_in_dim3A_30, %sub3A_65 : vector<1x256xf32>
    %slice3A_67 = vector.extract_strided_slice %transpose3A_22 {offsets = [0, 512], sizes = [1, 256], strides = [1, 1]} : vector<1x2048xf32> to vector<1x256xf32>
    %gt3A_68 = vector.broadcast %slice3A_67 : vector<1x256xf32> to vector<256x256xf32>
    %gt3A_69 = vector.broadcast %slice3A : vector<256x1xf32> to vector<256x256xf32>
    %gt3A_70 = arith.cmpf ogt, %gt3A_68, %gt3A_69 : vector<256x256xf32>
    %convert_element_type3A_71 = arith.extui %gt3A_70 : vector<256x256xi1> to vector<256x256xi32>
    %convert_element_type3A_72 = arith.sitofp %convert_element_type3A_71 : vector<256x256xi32> to vector<256x256xf32>
    %convert_element_type3A_73 = arith.truncf %convert_element_type3A_72 : vector<256x256xf32> to vector<256x256xbf16>
    %dot_general3A_74 = arith.constant dense<0.000000e+00> : vector<256x1xf32>
    %dot_general3A_75 = tpu.matmul %convert_element_type3A_73, %broadcast_in_dim3A_24, %dot_general3A_74 {dimension_numbers = #tpu.dot_dimension_numbers<[1], [0], [0], [1], [0, 0, 1, 1], [], []>, transpose_lhs_hint = false} : vector<256x256xbf16>, vector<256x1xbf16>, vector<256x1xf32> -> vector<256x1xf32>
    %add3A_76 = arith.addf %add3A, %dot_general3A_75 : vector<256x1xf32>
    %dot_general3A_77 = arith.constant dense<0.000000e+00> : vector<1x256xf32>
    %dot_general3A_78 = tpu.matmul %broadcast_in_dim3A_26, %convert_element_type3A_73, %dot_general3A_77 {dimension_numbers = #tpu.dot_dimension_numbers<[1], [0], [0], [1], [0, 0, 1, 1], [], []>, transpose_lhs_hint = false} : vector<1x256xbf16>, vector<256x256xbf16>, vector<1x256xf32> -> vector<1x256xf32>
    %sub3A_79 = arith.constant 2.560000e+02 : f32
    %sub3A_80 = vector.broadcast %sub3A_79 : f32 to vector<1x256xf32>
    %sub3A_81 = arith.subf %sub3A_80, %dot_general3A_78 : vector<1x256xf32>
    %add3A_82 = arith.addf %broadcast_in_dim3A_32, %sub3A_81 : vector<1x256xf32>
    %slice3A_83 = vector.extract_strided_slice %transpose3A_22 {offsets = [0, 768], sizes = [1, 256], strides = [1, 1]} : vector<1x2048xf32> to vector<1x256xf32>
    %gt3A_84 = vector.broadcast %slice3A_83 : vector<1x256xf32> to vector<256x256xf32>
    %gt3A_85 = vector.broadcast %slice3A : vector<256x1xf32> to vector<256x256xf32>
    %gt3A_86 = arith.cmpf ogt, %gt3A_84, %gt3A_85 : vector<256x256xf32>
    %convert_element_type3A_87 = arith.extui %gt3A_86 : vector<256x256xi1> to vector<256x256xi32>
    %convert_element_type3A_88 = arith.sitofp %convert_element_type3A_87 : vector<256x256xi32> to vector<256x256xf32>
    %convert_element_type3A_89 = arith.truncf %convert_element_type3A_88 : vector<256x256xf32> to vector<256x256xbf16>
    %dot_general3A_90 = arith.constant dense<0.000000e+00> : vector<256x1xf32>
    %dot_general3A_91 = tpu.matmul %convert_element_type3A_89, %broadcast_in_dim3A_24, %dot_general3A_90 {dimension_numbers = #tpu.dot_dimension_numbers<[1], [0], [0], [1], [0, 0, 1, 1], [], []>, transpose_lhs_hint = false} : vector<256x256xbf16>, vector<256x1xbf16>, vector<256x1xf32> -> vector<256x1xf32>
    %add3A_92 = arith.addf %add3A_76, %dot_general3A_91 : vector<256x1xf32>
    %dot_general3A_93 = arith.constant dense<0.000000e+00> : vector<1x256xf32>
    %dot_general3A_94 = tpu.matmul %broadcast_in_dim3A_26, %convert_element_type3A_89, %dot_general3A_93 {dimension_numbers = #tpu.dot_dimension_numbers<[1], [0], [0], [1], [0, 0, 1, 1], [], []>, transpose_lhs_hint = false} : vector<1x256xbf16>, vector<256x256xbf16>, vector<1x256xf32> -> vector<1x256xf32>
    %sub3A_95 = arith.constant 2.560000e+02 : f32
    %sub3A_96 = vector.broadcast %sub3A_95 : f32 to vector<1x256xf32>
    %sub3A_97 = arith.subf %sub3A_96, %dot_general3A_94 : vector<1x256xf32>
    %add3A_98 = arith.addf %broadcast_in_dim3A_34, %sub3A_97 : vector<1x256xf32>
    %slice3A_99 = vector.extract_strided_slice %transpose3A_22 {offsets = [0, 1024], sizes = [1, 256], strides = [1, 1]} : vector<1x2048xf32> to vector<1x256xf32>
    %gt3A_100 = vector.broadcast %slice3A_99 : vector<1x256xf32> to vector<256x256xf32>
    %gt3A_101 = vector.broadcast %slice3A : vector<256x1xf32> to vector<256x256xf32>
    %gt3A_102 = arith.cmpf ogt, %gt3A_100, %gt3A_101 : vector<256x256xf32>
    %convert_element_type3A_103 = arith.extui %gt3A_102 : vector<256x256xi1> to vector<256x256xi32>
    %convert_element_type3A_104 = arith.sitofp %convert_element_type3A_103 : vector<256x256xi32> to vector<256x256xf32>
    %convert_element_type3A_105 = arith.truncf %convert_element_type3A_104 : vector<256x256xf32> to vector<256x256xbf16>
    %dot_general3A_106 = arith.constant dense<0.000000e+00> : vector<256x1xf32>
    %dot_general3A_107 = tpu.matmul %convert_element_type3A_105, %broadcast_in_dim3A_24, %dot_general3A_106 {dimension_numbers = #tpu.dot_dimension_numbers<[1], [0], [0], [1], [0, 0, 1, 1], [], []>, transpose_lhs_hint = false} : vector<256x256xbf16>, vector<256x1xbf16>, vector<256x1xf32> -> vector<256x1xf32>
    %add3A_108 = arith.addf %add3A_92, %dot_general3A_107 : vector<256x1xf32>
    %dot_general3A_109 = arith.constant dense<0.000000e+00> : vector<1x256xf32>
    %dot_general3A_110 = tpu.matmul %broadcast_in_dim3A_26, %convert_element_type3A_105, %dot_general3A_109 {dimension_numbers = #tpu.dot_dimension_numbers<[1], [0], [0], [1], [0, 0, 1, 1], [], []>, transpose_lhs_hint = false} : vector<1x256xbf16>, vector<256x256xbf16>, vector<1x256xf32> -> vector<1x256xf32>
    %sub3A_111 = arith.constant 2.560000e+02 : f32
    %sub3A_112 = vector.broadcast %sub3A_111 : f32 to vector<1x256xf32>
    %sub3A_113 = arith.subf %sub3A_112, %dot_general3A_110 : vector<1x256xf32>
    %add3A_114 = arith.addf %broadcast_in_dim3A_36, %sub3A_113 : vector<1x256xf32>
    %slice3A_115 = vector.extract_strided_slice %transpose3A_22 {offsets = [0, 1280], sizes = [1, 256], strides = [1, 1]} : vector<1x2048xf32> to vector<1x256xf32>
    %gt3A_116 = vector.broadcast %slice3A_115 : vector<1x256xf32> to vector<256x256xf32>
    %gt3A_117 = vector.broadcast %slice3A : vector<256x1xf32> to vector<256x256xf32>
    %gt3A_118 = arith.cmpf ogt, %gt3A_116, %gt3A_117 : vector<256x256xf32>
    %convert_element_type3A_119 = arith.extui %gt3A_118 : vector<256x256xi1> to vector<256x256xi32>
    %convert_element_type3A_120 = arith.sitofp %convert_element_type3A_119 : vector<256x256xi32> to vector<256x256xf32>
    %convert_element_type3A_121 = arith.truncf %convert_element_type3A_120 : vector<256x256xf32> to vector<256x256xbf16>
    %dot_general3A_122 = arith.constant dense<0.000000e+00> : vector<256x1xf32>
    %dot_general3A_123 = tpu.matmul %convert_element_type3A_121, %broadcast_in_dim3A_24, %dot_general3A_122 {dimension_numbers = #tpu.dot_dimension_numbers<[1], [0], [0], [1], [0, 0, 1, 1], [], []>, transpose_lhs_hint = false} : vector<256x256xbf16>, vector<256x1xbf16>, vector<256x1xf32> -> vector<256x1xf32>
    %add3A_124 = arith.addf %add3A_108, %dot_general3A_123 : vector<256x1xf32>
    %dot_general3A_125 = arith.constant dense<0.000000e+00> : vector<1x256xf32>
    %dot_general3A_126 = tpu.matmul %broadcast_in_dim3A_26, %convert_element_type3A_121, %dot_general3A_125 {dimension_numbers = #tpu.dot_dimension_numbers<[1], [0], [0], [1], [0, 0, 1, 1], [], []>, transpose_lhs_hint = false} : vector<1x256xbf16>, vector<256x256xbf16>, vector<1x256xf32> -> vector<1x256xf32>
    %sub3A_127 = arith.constant 2.560000e+02 : f32
    %sub3A_128 = vector.broadcast %sub3A_127 : f32 to vector<1x256xf32>
    %sub3A_129 = arith.subf %sub3A_128, %dot_general3A_126 : vector<1x256xf32>
    %add3A_130 = arith.addf %broadcast_in_dim3A_38, %sub3A_129 : vector<1x256xf32>
    %slice3A_131 = vector.extract_strided_slice %transpose3A_22 {offsets = [0, 1536], sizes = [1, 256], strides = [1, 1]} : vector<1x2048xf32> to vector<1x256xf32>
    %gt3A_132 = vector.broadcast %slice3A_131 : vector<1x256xf32> to vector<256x256xf32>
    %gt3A_133 = vector.broadcast %slice3A : vector<256x1xf32> to vector<256x256xf32>
    %gt3A_134 = arith.cmpf ogt, %gt3A_132, %gt3A_133 : vector<256x256xf32>
    %convert_element_type3A_135 = arith.extui %gt3A_134 : vector<256x256xi1> to vector<256x256xi32>
    %convert_element_type3A_136 = arith.sitofp %convert_element_type3A_135 : vector<256x256xi32> to vector<256x256xf32>
    %convert_element_type3A_137 = arith.truncf %convert_element_type3A_136 : vector<256x256xf32> to vector<256x256xbf16>
    %dot_general3A_138 = arith.constant dense<0.000000e+00> : vector<256x1xf32>
    %dot_general3A_139 = tpu.matmul %convert_element_type3A_137, %broadcast_in_dim3A_24, %dot_general3A_138 {dimension_numbers = #tpu.dot_dimension_numbers<[1], [0], [0], [1], [0, 0, 1, 1], [], []>, transpose_lhs_hint = false} : vector<256x256xbf16>, vector<256x1xbf16>, vector<256x1xf32> -> vector<256x1xf32>
    %add3A_140 = arith.addf %add3A_124, %dot_general3A_139 : vector<256x1xf32>
    %dot_general3A_141 = arith.constant dense<0.000000e+00> : vector<1x256xf32>
    %dot_general3A_142 = tpu.matmul %broadcast_in_dim3A_26, %convert_element_type3A_137, %dot_general3A_141 {dimension_numbers = #tpu.dot_dimension_numbers<[1], [0], [0], [1], [0, 0, 1, 1], [], []>, transpose_lhs_hint = false} : vector<1x256xbf16>, vector<256x256xbf16>, vector<1x256xf32> -> vector<1x256xf32>
    %sub3A_143 = arith.constant 2.560000e+02 : f32
    %sub3A_144 = vector.broadcast %sub3A_143 : f32 to vector<1x256xf32>
    %sub3A_145 = arith.subf %sub3A_144, %dot_general3A_142 : vector<1x256xf32>
    %add3A_146 = arith.addf %broadcast_in_dim3A_40, %sub3A_145 : vector<1x256xf32>
    %slice3A_147 = vector.extract_strided_slice %transpose3A_22 {offsets = [0, 1792], sizes = [1, 256], strides = [1, 1]} : vector<1x2048xf32> to vector<1x256xf32>
    %gt3A_148 = vector.broadcast %slice3A_147 : vector<1x256xf32> to vector<256x256xf32>
    %gt3A_149 = vector.broadcast %slice3A : vector<256x1xf32> to vector<256x256xf32>
    %gt3A_150 = arith.cmpf ogt, %gt3A_148, %gt3A_149 : vector<256x256xf32>
    %convert_element_type3A_151 = arith.extui %gt3A_150 : vector<256x256xi1> to vector<256x256xi32>
    %convert_element_type3A_152 = arith.sitofp %convert_element_type3A_151 : vector<256x256xi32> to vector<256x256xf32>
    %convert_element_type3A_153 = arith.truncf %convert_element_type3A_152 : vector<256x256xf32> to vector<256x256xbf16>
    %dot_general3A_154 = arith.constant dense<0.000000e+00> : vector<256x1xf32>
    %dot_general3A_155 = tpu.matmul %convert_element_type3A_153, %broadcast_in_dim3A_24, %dot_general3A_154 {dimension_numbers = #tpu.dot_dimension_numbers<[1], [0], [0], [1], [0, 0, 1, 1], [], []>, transpose_lhs_hint = false} : vector<256x256xbf16>, vector<256x1xbf16>, vector<256x1xf32> -> vector<256x1xf32>
    %add3A_156 = arith.addf %add3A_140, %dot_general3A_155 : vector<256x1xf32>
    %dot_general3A_157 = arith.constant dense<0.000000e+00> : vector<1x256xf32>
    %dot_general3A_158 = tpu.matmul %broadcast_in_dim3A_26, %convert_element_type3A_153, %dot_general3A_157 {dimension_numbers = #tpu.dot_dimension_numbers<[1], [0], [0], [1], [0, 0, 1, 1], [], []>, transpose_lhs_hint = false} : vector<1x256xbf16>, vector<256x256xbf16>, vector<1x256xf32> -> vector<1x256xf32>
    %sub3A_159 = arith.constant 2.560000e+02 : f32
    %sub3A_160 = vector.broadcast %sub3A_159 : f32 to vector<1x256xf32>
    %sub3A_161 = arith.subf %sub3A_160, %dot_general3A_158 : vector<1x256xf32>
    %add3A_162 = arith.addf %broadcast_in_dim3A_42, %sub3A_161 : vector<1x256xf32>
    %slice3A_163 = vector.extract_strided_slice %logistic3A_15 {offsets = [256, 0], sizes = [256, 1], strides = [1, 1]} : vector<2048x1xf32> to vector<256x1xf32>
    %slice3A_164 = vector.extract_strided_slice %transpose3A_22 {offsets = [0, 256], sizes = [1, 256], strides = [1, 1]} : vector<1x2048xf32> to vector<1x256xf32>
    %gt3A_165 = vector.broadcast %slice3A_164 : vector<1x256xf32> to vector<256x256xf32>
    %gt3A_166 = vector.broadcast %slice3A_163 : vector<256x1xf32> to vector<256x256xf32>
    %gt3A_167 = arith.cmpf ogt, %gt3A_165, %gt3A_166 : vector<256x256xf32>
    %eq3A_168 = vector.broadcast %slice3A_164 : vector<1x256xf32> to vector<256x256xf32>
    %eq3A_169 = vector.broadcast %slice3A_163 : vector<256x1xf32> to vector<256x256xf32>
    %eq3A_170 = arith.cmpf oeq, %eq3A_168, %eq3A_169 : vector<256x256xf32>
    %and3A_171 = arith.andi %eq3A_170, %lt3A : vector<256x256xi1>
    %or3A_172 = arith.ori %gt3A_167, %and3A_171 : vector<256x256xi1>
    %convert_element_type3A_173 = arith.extui %or3A_172 : vector<256x256xi1> to vector<256x256xi32>
    %convert_element_type3A_174 = arith.sitofp %convert_element_type3A_173 : vector<256x256xi32> to vector<256x256xf32>
    %convert_element_type3A_175 = arith.truncf %convert_element_type3A_174 : vector<256x256xf32> to vector<256x256xbf16>
    %dot_general3A_176 = arith.constant dense<0.000000e+00> : vector<256x1xf32>
    %dot_general3A_177 = tpu.matmul %convert_element_type3A_175, %broadcast_in_dim3A_24, %dot_general3A_176 {dimension_numbers = #tpu.dot_dimension_numbers<[1], [0], [0], [1], [0, 0, 1, 1], [], []>, transpose_lhs_hint = false} : vector<256x256xbf16>, vector<256x1xbf16>, vector<256x1xf32> -> vector<256x1xf32>
    %slice3A_178 = vector.extract_strided_slice %transpose3A_22 {offsets = [0, 512], sizes = [1, 256], strides = [1, 1]} : vector<1x2048xf32> to vector<1x256xf32>
    %gt3A_179 = vector.broadcast %slice3A_178 : vector<1x256xf32> to vector<256x256xf32>
    %gt3A_180 = vector.broadcast %slice3A_163 : vector<256x1xf32> to vector<256x256xf32>
    %gt3A_181 = arith.cmpf ogt, %gt3A_179, %gt3A_180 : vector<256x256xf32>
    %convert_element_type3A_182 = arith.extui %gt3A_181 : vector<256x256xi1> to vector<256x256xi32>
    %convert_element_type3A_183 = arith.sitofp %convert_element_type3A_182 : vector<256x256xi32> to vector<256x256xf32>
    %convert_element_type3A_184 = arith.truncf %convert_element_type3A_183 : vector<256x256xf32> to vector<256x256xbf16>
    %dot_general3A_185 = arith.constant dense<0.000000e+00> : vector<256x1xf32>
    %dot_general3A_186 = tpu.matmul %convert_element_type3A_184, %broadcast_in_dim3A_24, %dot_general3A_185 {dimension_numbers = #tpu.dot_dimension_numbers<[1], [0], [0], [1], [0, 0, 1, 1], [], []>, transpose_lhs_hint = false} : vector<256x256xbf16>, vector<256x1xbf16>, vector<256x1xf32> -> vector<256x1xf32>
    %add3A_187 = arith.addf %dot_general3A_177, %dot_general3A_186 : vector<256x1xf32>
    %dot_general3A_188 = arith.constant dense<0.000000e+00> : vector<1x256xf32>
    %dot_general3A_189 = tpu.matmul %broadcast_in_dim3A_26, %convert_element_type3A_184, %dot_general3A_188 {dimension_numbers = #tpu.dot_dimension_numbers<[1], [0], [0], [1], [0, 0, 1, 1], [], []>, transpose_lhs_hint = false} : vector<1x256xbf16>, vector<256x256xbf16>, vector<1x256xf32> -> vector<1x256xf32>
    %sub3A_190 = arith.constant 2.560000e+02 : f32
    %sub3A_191 = vector.broadcast %sub3A_190 : f32 to vector<1x256xf32>
    %sub3A_192 = arith.subf %sub3A_191, %dot_general3A_189 : vector<1x256xf32>
    %add3A_193 = arith.addf %add3A_82, %sub3A_192 : vector<1x256xf32>
    %slice3A_194 = vector.extract_strided_slice %transpose3A_22 {offsets = [0, 768], sizes = [1, 256], strides = [1, 1]} : vector<1x2048xf32> to vector<1x256xf32>
    %gt3A_195 = vector.broadcast %slice3A_194 : vector<1x256xf32> to vector<256x256xf32>
    %gt3A_196 = vector.broadcast %slice3A_163 : vector<256x1xf32> to vector<256x256xf32>
    %gt3A_197 = arith.cmpf ogt, %gt3A_195, %gt3A_196 : vector<256x256xf32>
    %convert_element_type3A_198 = arith.extui %gt3A_197 : vector<256x256xi1> to vector<256x256xi32>
    %convert_element_type3A_199 = arith.sitofp %convert_element_type3A_198 : vector<256x256xi32> to vector<256x256xf32>
    %convert_element_type3A_200 = arith.truncf %convert_element_type3A_199 : vector<256x256xf32> to vector<256x256xbf16>
    %dot_general3A_201 = arith.constant dense<0.000000e+00> : vector<256x1xf32>
    %dot_general3A_202 = tpu.matmul %convert_element_type3A_200, %broadcast_in_dim3A_24, %dot_general3A_201 {dimension_numbers = #tpu.dot_dimension_numbers<[1], [0], [0], [1], [0, 0, 1, 1], [], []>, transpose_lhs_hint = false} : vector<256x256xbf16>, vector<256x1xbf16>, vector<256x1xf32> -> vector<256x1xf32>
    %add3A_203 = arith.addf %add3A_187, %dot_general3A_202 : vector<256x1xf32>
    %dot_general3A_204 = arith.constant dense<0.000000e+00> : vector<1x256xf32>
    %dot_general3A_205 = tpu.matmul %broadcast_in_dim3A_26, %convert_element_type3A_200, %dot_general3A_204 {dimension_numbers = #tpu.dot_dimension_numbers<[1], [0], [0], [1], [0, 0, 1, 1], [], []>, transpose_lhs_hint = false} : vector<1x256xbf16>, vector<256x256xbf16>, vector<1x256xf32> -> vector<1x256xf32>
    %sub3A_206 = arith.constant 2.560000e+02 : f32
    %sub3A_207 = vector.broadcast %sub3A_206 : f32 to vector<1x256xf32>
    %sub3A_208 = arith.subf %sub3A_207, %dot_general3A_205 : vector<1x256xf32>
    %add3A_209 = arith.addf %add3A_98, %sub3A_208 : vector<1x256xf32>
    %slice3A_210 = vector.extract_strided_slice %transpose3A_22 {offsets = [0, 1024], sizes = [1, 256], strides = [1, 1]} : vector<1x2048xf32> to vector<1x256xf32>
    %gt3A_211 = vector.broadcast %slice3A_210 : vector<1x256xf32> to vector<256x256xf32>
    %gt3A_212 = vector.broadcast %slice3A_163 : vector<256x1xf32> to vector<256x256xf32>
    %gt3A_213 = arith.cmpf ogt, %gt3A_211, %gt3A_212 : vector<256x256xf32>
    %convert_element_type3A_214 = arith.extui %gt3A_213 : vector<256x256xi1> to vector<256x256xi32>
    %convert_element_type3A_215 = arith.sitofp %convert_element_type3A_214 : vector<256x256xi32> to vector<256x256xf32>
    %convert_element_type3A_216 = arith.truncf %convert_element_type3A_215 : vector<256x256xf32> to vector<256x256xbf16>
    %dot_general3A_217 = arith.constant dense<0.000000e+00> : vector<256x1xf32>
    %dot_general3A_218 = tpu.matmul %convert_element_type3A_216, %broadcast_in_dim3A_24, %dot_general3A_217 {dimension_numbers = #tpu.dot_dimension_numbers<[1], [0], [0], [1], [0, 0, 1, 1], [], []>, transpose_lhs_hint = false} : vector<256x256xbf16>, vector<256x1xbf16>, vector<256x1xf32> -> vector<256x1xf32>
    %add3A_219 = arith.addf %add3A_203, %dot_general3A_218 : vector<256x1xf32>
    %dot_general3A_220 = arith.constant dense<0.000000e+00> : vector<1x256xf32>
    %dot_general3A_221 = tpu.matmul %broadcast_in_dim3A_26, %convert_element_type3A_216, %dot_general3A_220 {dimension_numbers = #tpu.dot_dimension_numbers<[1], [0], [0], [1], [0, 0, 1, 1], [], []>, transpose_lhs_hint = false} : vector<1x256xbf16>, vector<256x256xbf16>, vector<1x256xf32> -> vector<1x256xf32>
    %sub3A_222 = arith.constant 2.560000e+02 : f32
    %sub3A_223 = vector.broadcast %sub3A_222 : f32 to vector<1x256xf32>
    %sub3A_224 = arith.subf %sub3A_223, %dot_general3A_221 : vector<1x256xf32>
    %add3A_225 = arith.addf %add3A_114, %sub3A_224 : vector<1x256xf32>
    %slice3A_226 = vector.extract_strided_slice %transpose3A_22 {offsets = [0, 1280], sizes = [1, 256], strides = [1, 1]} : vector<1x2048xf32> to vector<1x256xf32>
    %gt3A_227 = vector.broadcast %slice3A_226 : vector<1x256xf32> to vector<256x256xf32>
    %gt3A_228 = vector.broadcast %slice3A_163 : vector<256x1xf32> to vector<256x256xf32>
    %gt3A_229 = arith.cmpf ogt, %gt3A_227, %gt3A_228 : vector<256x256xf32>
    %convert_element_type3A_230 = arith.extui %gt3A_229 : vector<256x256xi1> to vector<256x256xi32>
    %convert_element_type3A_231 = arith.sitofp %convert_element_type3A_230 : vector<256x256xi32> to vector<256x256xf32>
    %convert_element_type3A_232 = arith.truncf %convert_element_type3A_231 : vector<256x256xf32> to vector<256x256xbf16>
    %dot_general3A_233 = arith.constant dense<0.000000e+00> : vector<256x1xf32>
    %dot_general3A_234 = tpu.matmul %convert_element_type3A_232, %broadcast_in_dim3A_24, %dot_general3A_233 {dimension_numbers = #tpu.dot_dimension_numbers<[1], [0], [0], [1], [0, 0, 1, 1], [], []>, transpose_lhs_hint = false} : vector<256x256xbf16>, vector<256x1xbf16>, vector<256x1xf32> -> vector<256x1xf32>
    %add3A_235 = arith.addf %add3A_219, %dot_general3A_234 : vector<256x1xf32>
    %dot_general3A_236 = arith.constant dense<0.000000e+00> : vector<1x256xf32>
    %dot_general3A_237 = tpu.matmul %broadcast_in_dim3A_26, %convert_element_type3A_232, %dot_general3A_236 {dimension_numbers = #tpu.dot_dimension_numbers<[1], [0], [0], [1], [0, 0, 1, 1], [], []>, transpose_lhs_hint = false} : vector<1x256xbf16>, vector<256x256xbf16>, vector<1x256xf32> -> vector<1x256xf32>
    %sub3A_238 = arith.constant 2.560000e+02 : f32
    %sub3A_239 = vector.broadcast %sub3A_238 : f32 to vector<1x256xf32>
    %sub3A_240 = arith.subf %sub3A_239, %dot_general3A_237 : vector<1x256xf32>
    %add3A_241 = arith.addf %add3A_130, %sub3A_240 : vector<1x256xf32>
    %slice3A_242 = vector.extract_strided_slice %transpose3A_22 {offsets = [0, 1536], sizes = [1, 256], strides = [1, 1]} : vector<1x2048xf32> to vector<1x256xf32>
    %gt3A_243 = vector.broadcast %slice3A_242 : vector<1x256xf32> to vector<256x256xf32>
    %gt3A_244 = vector.broadcast %slice3A_163 : vector<256x1xf32> to vector<256x256xf32>
    %gt3A_245 = arith.cmpf ogt, %gt3A_243, %gt3A_244 : vector<256x256xf32>
    %convert_element_type3A_246 = arith.extui %gt3A_245 : vector<256x256xi1> to vector<256x256xi32>
    %convert_element_type3A_247 = arith.sitofp %convert_element_type3A_246 : vector<256x256xi32> to vector<256x256xf32>
    %convert_element_type3A_248 = arith.truncf %convert_element_type3A_247 : vector<256x256xf32> to vector<256x256xbf16>
    %dot_general3A_249 = arith.constant dense<0.000000e+00> : vector<256x1xf32>
    %dot_general3A_250 = tpu.matmul %convert_element_type3A_248, %broadcast_in_dim3A_24, %dot_general3A_249 {dimension_numbers = #tpu.dot_dimension_numbers<[1], [0], [0], [1], [0, 0, 1, 1], [], []>, transpose_lhs_hint = false} : vector<256x256xbf16>, vector<256x1xbf16>, vector<256x1xf32> -> vector<256x1xf32>
    %add3A_251 = arith.addf %add3A_235, %dot_general3A_250 : vector<256x1xf32>
    %dot_general3A_252 = arith.constant dense<0.000000e+00> : vector<1x256xf32>
    %dot_general3A_253 = tpu.matmul %broadcast_in_dim3A_26, %convert_element_type3A_248, %dot_general3A_252 {dimension_numbers = #tpu.dot_dimension_numbers<[1], [0], [0], [1], [0, 0, 1, 1], [], []>, transpose_lhs_hint = false} : vector<1x256xbf16>, vector<256x256xbf16>, vector<1x256xf32> -> vector<1x256xf32>
    %sub3A_254 = arith.constant 2.560000e+02 : f32
    %sub3A_255 = vector.broadcast %sub3A_254 : f32 to vector<1x256xf32>
    %sub3A_256 = arith.subf %sub3A_255, %dot_general3A_253 : vector<1x256xf32>
    %add3A_257 = arith.addf %add3A_146, %sub3A_256 : vector<1x256xf32>
    %slice3A_258 = vector.extract_strided_slice %transpose3A_22 {offsets = [0, 1792], sizes = [1, 256], strides = [1, 1]} : vector<1x2048xf32> to vector<1x256xf32>
    %gt3A_259 = vector.broadcast %slice3A_258 : vector<1x256xf32> to vector<256x256xf32>
    %gt3A_260 = vector.broadcast %slice3A_163 : vector<256x1xf32> to vector<256x256xf32>
    %gt3A_261 = arith.cmpf ogt, %gt3A_259, %gt3A_260 : vector<256x256xf32>
    %convert_element_type3A_262 = arith.extui %gt3A_261 : vector<256x256xi1> to vector<256x256xi32>
    %convert_element_type3A_263 = arith.sitofp %convert_element_type3A_262 : vector<256x256xi32> to vector<256x256xf32>
    %convert_element_type3A_264 = arith.truncf %convert_element_type3A_263 : vector<256x256xf32> to vector<256x256xbf16>
    %dot_general3A_265 = arith.constant dense<0.000000e+00> : vector<256x1xf32>
    %dot_general3A_266 = tpu.matmul %convert_element_type3A_264, %broadcast_in_dim3A_24, %dot_general3A_265 {dimension_numbers = #tpu.dot_dimension_numbers<[1], [0], [0], [1], [0, 0, 1, 1], [], []>, transpose_lhs_hint = false} : vector<256x256xbf16>, vector<256x1xbf16>, vector<256x1xf32> -> vector<256x1xf32>
    %add3A_267 = arith.addf %add3A_251, %dot_general3A_266 : vector<256x1xf32>
    %dot_general3A_268 = arith.constant dense<0.000000e+00> : vector<1x256xf32>
    %dot_general3A_269 = tpu.matmul %broadcast_in_dim3A_26, %convert_element_type3A_264, %dot_general3A_268 {dimension_numbers = #tpu.dot_dimension_numbers<[1], [0], [0], [1], [0, 0, 1, 1], [], []>, transpose_lhs_hint = false} : vector<1x256xbf16>, vector<256x256xbf16>, vector<1x256xf32> -> vector<1x256xf32>
    %sub3A_270 = arith.constant 2.560000e+02 : f32
    %sub3A_271 = vector.broadcast %sub3A_270 : f32 to vector<1x256xf32>
    %sub3A_272 = arith.subf %sub3A_271, %dot_general3A_269 : vector<1x256xf32>
    %add3A_273 = arith.addf %add3A_162, %sub3A_272 : vector<1x256xf32>
    %slice3A_274 = vector.extract_strided_slice %logistic3A_15 {offsets = [512, 0], sizes = [256, 1], strides = [1, 1]} : vector<2048x1xf32> to vector<256x1xf32>
    %slice3A_275 = vector.extract_strided_slice %transpose3A_22 {offsets = [0, 512], sizes = [1, 256], strides = [1, 1]} : vector<1x2048xf32> to vector<1x256xf32>
    %gt3A_276 = vector.broadcast %slice3A_275 : vector<1x256xf32> to vector<256x256xf32>
    %gt3A_277 = vector.broadcast %slice3A_274 : vector<256x1xf32> to vector<256x256xf32>
    %gt3A_278 = arith.cmpf ogt, %gt3A_276, %gt3A_277 : vector<256x256xf32>
    %eq3A_279 = vector.broadcast %slice3A_275 : vector<1x256xf32> to vector<256x256xf32>
    %eq3A_280 = vector.broadcast %slice3A_274 : vector<256x1xf32> to vector<256x256xf32>
    %eq3A_281 = arith.cmpf oeq, %eq3A_279, %eq3A_280 : vector<256x256xf32>
    %and3A_282 = arith.andi %eq3A_281, %lt3A : vector<256x256xi1>
    %or3A_283 = arith.ori %gt3A_278, %and3A_282 : vector<256x256xi1>
    %convert_element_type3A_284 = arith.extui %or3A_283 : vector<256x256xi1> to vector<256x256xi32>
    %convert_element_type3A_285 = arith.sitofp %convert_element_type3A_284 : vector<256x256xi32> to vector<256x256xf32>
    %convert_element_type3A_286 = arith.truncf %convert_element_type3A_285 : vector<256x256xf32> to vector<256x256xbf16>
    %dot_general3A_287 = arith.constant dense<0.000000e+00> : vector<256x1xf32>
    %dot_general3A_288 = tpu.matmul %convert_element_type3A_286, %broadcast_in_dim3A_24, %dot_general3A_287 {dimension_numbers = #tpu.dot_dimension_numbers<[1], [0], [0], [1], [0, 0, 1, 1], [], []>, transpose_lhs_hint = false} : vector<256x256xbf16>, vector<256x1xbf16>, vector<256x1xf32> -> vector<256x1xf32>
    %slice3A_289 = vector.extract_strided_slice %transpose3A_22 {offsets = [0, 768], sizes = [1, 256], strides = [1, 1]} : vector<1x2048xf32> to vector<1x256xf32>
    %gt3A_290 = vector.broadcast %slice3A_289 : vector<1x256xf32> to vector<256x256xf32>
    %gt3A_291 = vector.broadcast %slice3A_274 : vector<256x1xf32> to vector<256x256xf32>
    %gt3A_292 = arith.cmpf ogt, %gt3A_290, %gt3A_291 : vector<256x256xf32>
    %convert_element_type3A_293 = arith.extui %gt3A_292 : vector<256x256xi1> to vector<256x256xi32>
    %convert_element_type3A_294 = arith.sitofp %convert_element_type3A_293 : vector<256x256xi32> to vector<256x256xf32>
    %convert_element_type3A_295 = arith.truncf %convert_element_type3A_294 : vector<256x256xf32> to vector<256x256xbf16>
    %dot_general3A_296 = arith.constant dense<0.000000e+00> : vector<256x1xf32>
    %dot_general3A_297 = tpu.matmul %convert_element_type3A_295, %broadcast_in_dim3A_24, %dot_general3A_296 {dimension_numbers = #tpu.dot_dimension_numbers<[1], [0], [0], [1], [0, 0, 1, 1], [], []>, transpose_lhs_hint = false} : vector<256x256xbf16>, vector<256x1xbf16>, vector<256x1xf32> -> vector<256x1xf32>
    %add3A_298 = arith.addf %dot_general3A_288, %dot_general3A_297 : vector<256x1xf32>
    %dot_general3A_299 = arith.constant dense<0.000000e+00> : vector<1x256xf32>
    %dot_general3A_300 = tpu.matmul %broadcast_in_dim3A_26, %convert_element_type3A_295, %dot_general3A_299 {dimension_numbers = #tpu.dot_dimension_numbers<[1], [0], [0], [1], [0, 0, 1, 1], [], []>, transpose_lhs_hint = false} : vector<1x256xbf16>, vector<256x256xbf16>, vector<1x256xf32> -> vector<1x256xf32>
    %sub3A_301 = arith.constant 2.560000e+02 : f32
    %sub3A_302 = vector.broadcast %sub3A_301 : f32 to vector<1x256xf32>
    %sub3A_303 = arith.subf %sub3A_302, %dot_general3A_300 : vector<1x256xf32>
    %add3A_304 = arith.addf %add3A_209, %sub3A_303 : vector<1x256xf32>
    %slice3A_305 = vector.extract_strided_slice %transpose3A_22 {offsets = [0, 1024], sizes = [1, 256], strides = [1, 1]} : vector<1x2048xf32> to vector<1x256xf32>
    %gt3A_306 = vector.broadcast %slice3A_305 : vector<1x256xf32> to vector<256x256xf32>
    %gt3A_307 = vector.broadcast %slice3A_274 : vector<256x1xf32> to vector<256x256xf32>
    %gt3A_308 = arith.cmpf ogt, %gt3A_306, %gt3A_307 : vector<256x256xf32>
    %convert_element_type3A_309 = arith.extui %gt3A_308 : vector<256x256xi1> to vector<256x256xi32>
    %convert_element_type3A_310 = arith.sitofp %convert_element_type3A_309 : vector<256x256xi32> to vector<256x256xf32>
    %convert_element_type3A_311 = arith.truncf %convert_element_type3A_310 : vector<256x256xf32> to vector<256x256xbf16>
    %dot_general3A_312 = arith.constant dense<0.000000e+00> : vector<256x1xf32>
    %dot_general3A_313 = tpu.matmul %convert_element_type3A_311, %broadcast_in_dim3A_24, %dot_general3A_312 {dimension_numbers = #tpu.dot_dimension_numbers<[1], [0], [0], [1], [0, 0, 1, 1], [], []>, transpose_lhs_hint = false} : vector<256x256xbf16>, vector<256x1xbf16>, vector<256x1xf32> -> vector<256x1xf32>
    %add3A_314 = arith.addf %add3A_298, %dot_general3A_313 : vector<256x1xf32>
    %dot_general3A_315 = arith.constant dense<0.000000e+00> : vector<1x256xf32>
    %dot_general3A_316 = tpu.matmul %broadcast_in_dim3A_26, %convert_element_type3A_311, %dot_general3A_315 {dimension_numbers = #tpu.dot_dimension_numbers<[1], [0], [0], [1], [0, 0, 1, 1], [], []>, transpose_lhs_hint = false} : vector<1x256xbf16>, vector<256x256xbf16>, vector<1x256xf32> -> vector<1x256xf32>
    %sub3A_317 = arith.constant 2.560000e+02 : f32
    %sub3A_318 = vector.broadcast %sub3A_317 : f32 to vector<1x256xf32>
    %sub3A_319 = arith.subf %sub3A_318, %dot_general3A_316 : vector<1x256xf32>
    %add3A_320 = arith.addf %add3A_225, %sub3A_319 : vector<1x256xf32>
    %slice3A_321 = vector.extract_strided_slice %transpose3A_22 {offsets = [0, 1280], sizes = [1, 256], strides = [1, 1]} : vector<1x2048xf32> to vector<1x256xf32>
    %gt3A_322 = vector.broadcast %slice3A_321 : vector<1x256xf32> to vector<256x256xf32>
    %gt3A_323 = vector.broadcast %slice3A_274 : vector<256x1xf32> to vector<256x256xf32>
    %gt3A_324 = arith.cmpf ogt, %gt3A_322, %gt3A_323 : vector<256x256xf32>
    %convert_element_type3A_325 = arith.extui %gt3A_324 : vector<256x256xi1> to vector<256x256xi32>
    %convert_element_type3A_326 = arith.sitofp %convert_element_type3A_325 : vector<256x256xi32> to vector<256x256xf32>
    %convert_element_type3A_327 = arith.truncf %convert_element_type3A_326 : vector<256x256xf32> to vector<256x256xbf16>
    %dot_general3A_328 = arith.constant dense<0.000000e+00> : vector<256x1xf32>
    %dot_general3A_329 = tpu.matmul %convert_element_type3A_327, %broadcast_in_dim3A_24, %dot_general3A_328 {dimension_numbers = #tpu.dot_dimension_numbers<[1], [0], [0], [1], [0, 0, 1, 1], [], []>, transpose_lhs_hint = false} : vector<256x256xbf16>, vector<256x1xbf16>, vector<256x1xf32> -> vector<256x1xf32>
    %add3A_330 = arith.addf %add3A_314, %dot_general3A_329 : vector<256x1xf32>
    %dot_general3A_331 = arith.constant dense<0.000000e+00> : vector<1x256xf32>
    %dot_general3A_332 = tpu.matmul %broadcast_in_dim3A_26, %convert_element_type3A_327, %dot_general3A_331 {dimension_numbers = #tpu.dot_dimension_numbers<[1], [0], [0], [1], [0, 0, 1, 1], [], []>, transpose_lhs_hint = false} : vector<1x256xbf16>, vector<256x256xbf16>, vector<1x256xf32> -> vector<1x256xf32>
    %sub3A_333 = arith.constant 2.560000e+02 : f32
    %sub3A_334 = vector.broadcast %sub3A_333 : f32 to vector<1x256xf32>
    %sub3A_335 = arith.subf %sub3A_334, %dot_general3A_332 : vector<1x256xf32>
    %add3A_336 = arith.addf %add3A_241, %sub3A_335 : vector<1x256xf32>
    %slice3A_337 = vector.extract_strided_slice %transpose3A_22 {offsets = [0, 1536], sizes = [1, 256], strides = [1, 1]} : vector<1x2048xf32> to vector<1x256xf32>
    %gt3A_338 = vector.broadcast %slice3A_337 : vector<1x256xf32> to vector<256x256xf32>
    %gt3A_339 = vector.broadcast %slice3A_274 : vector<256x1xf32> to vector<256x256xf32>
    %gt3A_340 = arith.cmpf ogt, %gt3A_338, %gt3A_339 : vector<256x256xf32>
    %convert_element_type3A_341 = arith.extui %gt3A_340 : vector<256x256xi1> to vector<256x256xi32>
    %convert_element_type3A_342 = arith.sitofp %convert_element_type3A_341 : vector<256x256xi32> to vector<256x256xf32>
    %convert_element_type3A_343 = arith.truncf %convert_element_type3A_342 : vector<256x256xf32> to vector<256x256xbf16>
    %dot_general3A_344 = arith.constant dense<0.000000e+00> : vector<256x1xf32>
    %dot_general3A_345 = tpu.matmul %convert_element_type3A_343, %broadcast_in_dim3A_24, %dot_general3A_344 {dimension_numbers = #tpu.dot_dimension_numbers<[1], [0], [0], [1], [0, 0, 1, 1], [], []>, transpose_lhs_hint = false} : vector<256x256xbf16>, vector<256x1xbf16>, vector<256x1xf32> -> vector<256x1xf32>
    %add3A_346 = arith.addf %add3A_330, %dot_general3A_345 : vector<256x1xf32>
    %dot_general3A_347 = arith.constant dense<0.000000e+00> : vector<1x256xf32>
    %dot_general3A_348 = tpu.matmul %broadcast_in_dim3A_26, %convert_element_type3A_343, %dot_general3A_347 {dimension_numbers = #tpu.dot_dimension_numbers<[1], [0], [0], [1], [0, 0, 1, 1], [], []>, transpose_lhs_hint = false} : vector<1x256xbf16>, vector<256x256xbf16>, vector<1x256xf32> -> vector<1x256xf32>
    %sub3A_349 = arith.constant 2.560000e+02 : f32
    %sub3A_350 = vector.broadcast %sub3A_349 : f32 to vector<1x256xf32>
    %sub3A_351 = arith.subf %sub3A_350, %dot_general3A_348 : vector<1x256xf32>
    %add3A_352 = arith.addf %add3A_257, %sub3A_351 : vector<1x256xf32>
    %slice3A_353 = vector.extract_strided_slice %transpose3A_22 {offsets = [0, 1792], sizes = [1, 256], strides = [1, 1]} : vector<1x2048xf32> to vector<1x256xf32>
    %gt3A_354 = vector.broadcast %slice3A_353 : vector<1x256xf32> to vector<256x256xf32>
    %gt3A_355 = vector.broadcast %slice3A_274 : vector<256x1xf32> to vector<256x256xf32>
    %gt3A_356 = arith.cmpf ogt, %gt3A_354, %gt3A_355 : vector<256x256xf32>
    %convert_element_type3A_357 = arith.extui %gt3A_356 : vector<256x256xi1> to vector<256x256xi32>
    %convert_element_type3A_358 = arith.sitofp %convert_element_type3A_357 : vector<256x256xi32> to vector<256x256xf32>
    %convert_element_type3A_359 = arith.truncf %convert_element_type3A_358 : vector<256x256xf32> to vector<256x256xbf16>
    %dot_general3A_360 = arith.constant dense<0.000000e+00> : vector<256x1xf32>
    %dot_general3A_361 = tpu.matmul %convert_element_type3A_359, %broadcast_in_dim3A_24, %dot_general3A_360 {dimension_numbers = #tpu.dot_dimension_numbers<[1], [0], [0], [1], [0, 0, 1, 1], [], []>, transpose_lhs_hint = false} : vector<256x256xbf16>, vector<256x1xbf16>, vector<256x1xf32> -> vector<256x1xf32>
    %add3A_362 = arith.addf %add3A_346, %dot_general3A_361 : vector<256x1xf32>
    %dot_general3A_363 = arith.constant dense<0.000000e+00> : vector<1x256xf32>
    %dot_general3A_364 = tpu.matmul %broadcast_in_dim3A_26, %convert_element_type3A_359, %dot_general3A_363 {dimension_numbers = #tpu.dot_dimension_numbers<[1], [0], [0], [1], [0, 0, 1, 1], [], []>, transpose_lhs_hint = false} : vector<1x256xbf16>, vector<256x256xbf16>, vector<1x256xf32> -> vector<1x256xf32>
    %sub3A_365 = arith.constant 2.560000e+02 : f32
    %sub3A_366 = vector.broadcast %sub3A_365 : f32 to vector<1x256xf32>
    %sub3A_367 = arith.subf %sub3A_366, %dot_general3A_364 : vector<1x256xf32>
    %add3A_368 = arith.addf %add3A_273, %sub3A_367 : vector<1x256xf32>
    %slice3A_369 = vector.extract_strided_slice %logistic3A_15 {offsets = [768, 0], sizes = [256, 1], strides = [1, 1]} : vector<2048x1xf32> to vector<256x1xf32>
    %slice3A_370 = vector.extract_strided_slice %transpose3A_22 {offsets = [0, 768], sizes = [1, 256], strides = [1, 1]} : vector<1x2048xf32> to vector<1x256xf32>
    %gt3A_371 = vector.broadcast %slice3A_370 : vector<1x256xf32> to vector<256x256xf32>
    %gt3A_372 = vector.broadcast %slice3A_369 : vector<256x1xf32> to vector<256x256xf32>
    %gt3A_373 = arith.cmpf ogt, %gt3A_371, %gt3A_372 : vector<256x256xf32>
    %eq3A_374 = vector.broadcast %slice3A_370 : vector<1x256xf32> to vector<256x256xf32>
    %eq3A_375 = vector.broadcast %slice3A_369 : vector<256x1xf32> to vector<256x256xf32>
    %eq3A_376 = arith.cmpf oeq, %eq3A_374, %eq3A_375 : vector<256x256xf32>
    %and3A_377 = arith.andi %eq3A_376, %lt3A : vector<256x256xi1>
    %or3A_378 = arith.ori %gt3A_373, %and3A_377 : vector<256x256xi1>
    %convert_element_type3A_379 = arith.extui %or3A_378 : vector<256x256xi1> to vector<256x256xi32>
    %convert_element_type3A_380 = arith.sitofp %convert_element_type3A_379 : vector<256x256xi32> to vector<256x256xf32>
    %convert_element_type3A_381 = arith.truncf %convert_element_type3A_380 : vector<256x256xf32> to vector<256x256xbf16>
    %dot_general3A_382 = arith.constant dense<0.000000e+00> : vector<256x1xf32>
    %dot_general3A_383 = tpu.matmul %convert_element_type3A_381, %broadcast_in_dim3A_24, %dot_general3A_382 {dimension_numbers = #tpu.dot_dimension_numbers<[1], [0], [0], [1], [0, 0, 1, 1], [], []>, transpose_lhs_hint = false} : vector<256x256xbf16>, vector<256x1xbf16>, vector<256x1xf32> -> vector<256x1xf32>
    %slice3A_384 = vector.extract_strided_slice %transpose3A_22 {offsets = [0, 1024], sizes = [1, 256], strides = [1, 1]} : vector<1x2048xf32> to vector<1x256xf32>
    %gt3A_385 = vector.broadcast %slice3A_384 : vector<1x256xf32> to vector<256x256xf32>
    %gt3A_386 = vector.broadcast %slice3A_369 : vector<256x1xf32> to vector<256x256xf32>
    %gt3A_387 = arith.cmpf ogt, %gt3A_385, %gt3A_386 : vector<256x256xf32>
    %convert_element_type3A_388 = arith.extui %gt3A_387 : vector<256x256xi1> to vector<256x256xi32>
    %convert_element_type3A_389 = arith.sitofp %convert_element_type3A_388 : vector<256x256xi32> to vector<256x256xf32>
    %convert_element_type3A_390 = arith.truncf %convert_element_type3A_389 : vector<256x256xf32> to vector<256x256xbf16>
    %dot_general3A_391 = arith.constant dense<0.000000e+00> : vector<256x1xf32>
    %dot_general3A_392 = tpu.matmul %convert_element_type3A_390, %broadcast_in_dim3A_24, %dot_general3A_391 {dimension_numbers = #tpu.dot_dimension_numbers<[1], [0], [0], [1], [0, 0, 1, 1], [], []>, transpose_lhs_hint = false} : vector<256x256xbf16>, vector<256x1xbf16>, vector<256x1xf32> -> vector<256x1xf32>
    %add3A_393 = arith.addf %dot_general3A_383, %dot_general3A_392 : vector<256x1xf32>
    %dot_general3A_394 = arith.constant dense<0.000000e+00> : vector<1x256xf32>
    %dot_general3A_395 = tpu.matmul %broadcast_in_dim3A_26, %convert_element_type3A_390, %dot_general3A_394 {dimension_numbers = #tpu.dot_dimension_numbers<[1], [0], [0], [1], [0, 0, 1, 1], [], []>, transpose_lhs_hint = false} : vector<1x256xbf16>, vector<256x256xbf16>, vector<1x256xf32> -> vector<1x256xf32>
    %sub3A_396 = arith.constant 2.560000e+02 : f32
    %sub3A_397 = vector.broadcast %sub3A_396 : f32 to vector<1x256xf32>
    %sub3A_398 = arith.subf %sub3A_397, %dot_general3A_395 : vector<1x256xf32>
    %add3A_399 = arith.addf %add3A_320, %sub3A_398 : vector<1x256xf32>
    %slice3A_400 = vector.extract_strided_slice %transpose3A_22 {offsets = [0, 1280], sizes = [1, 256], strides = [1, 1]} : vector<1x2048xf32> to vector<1x256xf32>
    %gt3A_401 = vector.broadcast %slice3A_400 : vector<1x256xf32> to vector<256x256xf32>
    %gt3A_402 = vector.broadcast %slice3A_369 : vector<256x1xf32> to vector<256x256xf32>
    %gt3A_403 = arith.cmpf ogt, %gt3A_401, %gt3A_402 : vector<256x256xf32>
    %convert_element_type3A_404 = arith.extui %gt3A_403 : vector<256x256xi1> to vector<256x256xi32>
    %convert_element_type3A_405 = arith.sitofp %convert_element_type3A_404 : vector<256x256xi32> to vector<256x256xf32>
    %convert_element_type3A_406 = arith.truncf %convert_element_type3A_405 : vector<256x256xf32> to vector<256x256xbf16>
    %dot_general3A_407 = arith.constant dense<0.000000e+00> : vector<256x1xf32>
    %dot_general3A_408 = tpu.matmul %convert_element_type3A_406, %broadcast_in_dim3A_24, %dot_general3A_407 {dimension_numbers = #tpu.dot_dimension_numbers<[1], [0], [0], [1], [0, 0, 1, 1], [], []>, transpose_lhs_hint = false} : vector<256x256xbf16>, vector<256x1xbf16>, vector<256x1xf32> -> vector<256x1xf32>
    %add3A_409 = arith.addf %add3A_393, %dot_general3A_408 : vector<256x1xf32>
    %dot_general3A_410 = arith.constant dense<0.000000e+00> : vector<1x256xf32>
    %dot_general3A_411 = tpu.matmul %broadcast_in_dim3A_26, %convert_element_type3A_406, %dot_general3A_410 {dimension_numbers = #tpu.dot_dimension_numbers<[1], [0], [0], [1], [0, 0, 1, 1], [], []>, transpose_lhs_hint = false} : vector<1x256xbf16>, vector<256x256xbf16>, vector<1x256xf32> -> vector<1x256xf32>
    %sub3A_412 = arith.constant 2.560000e+02 : f32
    %sub3A_413 = vector.broadcast %sub3A_412 : f32 to vector<1x256xf32>
    %sub3A_414 = arith.subf %sub3A_413, %dot_general3A_411 : vector<1x256xf32>
    %add3A_415 = arith.addf %add3A_336, %sub3A_414 : vector<1x256xf32>
    %slice3A_416 = vector.extract_strided_slice %transpose3A_22 {offsets = [0, 1536], sizes = [1, 256], strides = [1, 1]} : vector<1x2048xf32> to vector<1x256xf32>
    %gt3A_417 = vector.broadcast %slice3A_416 : vector<1x256xf32> to vector<256x256xf32>
    %gt3A_418 = vector.broadcast %slice3A_369 : vector<256x1xf32> to vector<256x256xf32>
    %gt3A_419 = arith.cmpf ogt, %gt3A_417, %gt3A_418 : vector<256x256xf32>
    %convert_element_type3A_420 = arith.extui %gt3A_419 : vector<256x256xi1> to vector<256x256xi32>
    %convert_element_type3A_421 = arith.sitofp %convert_element_type3A_420 : vector<256x256xi32> to vector<256x256xf32>
    %convert_element_type3A_422 = arith.truncf %convert_element_type3A_421 : vector<256x256xf32> to vector<256x256xbf16>
    %dot_general3A_423 = arith.constant dense<0.000000e+00> : vector<256x1xf32>
    %dot_general3A_424 = tpu.matmul %convert_element_type3A_422, %broadcast_in_dim3A_24, %dot_general3A_423 {dimension_numbers = #tpu.dot_dimension_numbers<[1], [0], [0], [1], [0, 0, 1, 1], [], []>, transpose_lhs_hint = false} : vector<256x256xbf16>, vector<256x1xbf16>, vector<256x1xf32> -> vector<256x1xf32>
    %add3A_425 = arith.addf %add3A_409, %dot_general3A_424 : vector<256x1xf32>
    %dot_general3A_426 = arith.constant dense<0.000000e+00> : vector<1x256xf32>
    %dot_general3A_427 = tpu.matmul %broadcast_in_dim3A_26, %convert_element_type3A_422, %dot_general3A_426 {dimension_numbers = #tpu.dot_dimension_numbers<[1], [0], [0], [1], [0, 0, 1, 1], [], []>, transpose_lhs_hint = false} : vector<1x256xbf16>, vector<256x256xbf16>, vector<1x256xf32> -> vector<1x256xf32>
    %sub3A_428 = arith.constant 2.560000e+02 : f32
    %sub3A_429 = vector.broadcast %sub3A_428 : f32 to vector<1x256xf32>
    %sub3A_430 = arith.subf %sub3A_429, %dot_general3A_427 : vector<1x256xf32>
    %add3A_431 = arith.addf %add3A_352, %sub3A_430 : vector<1x256xf32>
    %slice3A_432 = vector.extract_strided_slice %transpose3A_22 {offsets = [0, 1792], sizes = [1, 256], strides = [1, 1]} : vector<1x2048xf32> to vector<1x256xf32>
    %gt3A_433 = vector.broadcast %slice3A_432 : vector<1x256xf32> to vector<256x256xf32>
    %gt3A_434 = vector.broadcast %slice3A_369 : vector<256x1xf32> to vector<256x256xf32>
    %gt3A_435 = arith.cmpf ogt, %gt3A_433, %gt3A_434 : vector<256x256xf32>
    %convert_element_type3A_436 = arith.extui %gt3A_435 : vector<256x256xi1> to vector<256x256xi32>
    %convert_element_type3A_437 = arith.sitofp %convert_element_type3A_436 : vector<256x256xi32> to vector<256x256xf32>
    %convert_element_type3A_438 = arith.truncf %convert_element_type3A_437 : vector<256x256xf32> to vector<256x256xbf16>
    %dot_general3A_439 = arith.constant dense<0.000000e+00> : vector<256x1xf32>
    %dot_general3A_440 = tpu.matmul %convert_element_type3A_438, %broadcast_in_dim3A_24, %dot_general3A_439 {dimension_numbers = #tpu.dot_dimension_numbers<[1], [0], [0], [1], [0, 0, 1, 1], [], []>, transpose_lhs_hint = false} : vector<256x256xbf16>, vector<256x1xbf16>, vector<256x1xf32> -> vector<256x1xf32>
    %add3A_441 = arith.addf %add3A_425, %dot_general3A_440 : vector<256x1xf32>
    %dot_general3A_442 = arith.constant dense<0.000000e+00> : vector<1x256xf32>
    %dot_general3A_443 = tpu.matmul %broadcast_in_dim3A_26, %convert_element_type3A_438, %dot_general3A_442 {dimension_numbers = #tpu.dot_dimension_numbers<[1], [0], [0], [1], [0, 0, 1, 1], [], []>, transpose_lhs_hint = false} : vector<1x256xbf16>, vector<256x256xbf16>, vector<1x256xf32> -> vector<1x256xf32>
    %sub3A_444 = arith.constant 2.560000e+02 : f32
    %sub3A_445 = vector.broadcast %sub3A_444 : f32 to vector<1x256xf32>
    %sub3A_446 = arith.subf %sub3A_445, %dot_general3A_443 : vector<1x256xf32>
    %add3A_447 = arith.addf %add3A_368, %sub3A_446 : vector<1x256xf32>
    %slice3A_448 = vector.extract_strided_slice %logistic3A_15 {offsets = [1024, 0], sizes = [256, 1], strides = [1, 1]} : vector<2048x1xf32> to vector<256x1xf32>
    %slice3A_449 = vector.extract_strided_slice %transpose3A_22 {offsets = [0, 1024], sizes = [1, 256], strides = [1, 1]} : vector<1x2048xf32> to vector<1x256xf32>
    %gt3A_450 = vector.broadcast %slice3A_449 : vector<1x256xf32> to vector<256x256xf32>
    %gt3A_451 = vector.broadcast %slice3A_448 : vector<256x1xf32> to vector<256x256xf32>
    %gt3A_452 = arith.cmpf ogt, %gt3A_450, %gt3A_451 : vector<256x256xf32>
    %eq3A_453 = vector.broadcast %slice3A_449 : vector<1x256xf32> to vector<256x256xf32>
    %eq3A_454 = vector.broadcast %slice3A_448 : vector<256x1xf32> to vector<256x256xf32>
    %eq3A_455 = arith.cmpf oeq, %eq3A_453, %eq3A_454 : vector<256x256xf32>
    %and3A_456 = arith.andi %eq3A_455, %lt3A : vector<256x256xi1>
    %or3A_457 = arith.ori %gt3A_452, %and3A_456 : vector<256x256xi1>
    %convert_element_type3A_458 = arith.extui %or3A_457 : vector<256x256xi1> to vector<256x256xi32>
    %convert_element_type3A_459 = arith.sitofp %convert_element_type3A_458 : vector<256x256xi32> to vector<256x256xf32>
    %convert_element_type3A_460 = arith.truncf %convert_element_type3A_459 : vector<256x256xf32> to vector<256x256xbf16>
    %dot_general3A_461 = arith.constant dense<0.000000e+00> : vector<256x1xf32>
    %dot_general3A_462 = tpu.matmul %convert_element_type3A_460, %broadcast_in_dim3A_24, %dot_general3A_461 {dimension_numbers = #tpu.dot_dimension_numbers<[1], [0], [0], [1], [0, 0, 1, 1], [], []>, transpose_lhs_hint = false} : vector<256x256xbf16>, vector<256x1xbf16>, vector<256x1xf32> -> vector<256x1xf32>
    %slice3A_463 = vector.extract_strided_slice %transpose3A_22 {offsets = [0, 1280], sizes = [1, 256], strides = [1, 1]} : vector<1x2048xf32> to vector<1x256xf32>
    %gt3A_464 = vector.broadcast %slice3A_463 : vector<1x256xf32> to vector<256x256xf32>
    %gt3A_465 = vector.broadcast %slice3A_448 : vector<256x1xf32> to vector<256x256xf32>
    %gt3A_466 = arith.cmpf ogt, %gt3A_464, %gt3A_465 : vector<256x256xf32>
    %convert_element_type3A_467 = arith.extui %gt3A_466 : vector<256x256xi1> to vector<256x256xi32>
    %convert_element_type3A_468 = arith.sitofp %convert_element_type3A_467 : vector<256x256xi32> to vector<256x256xf32>
    %convert_element_type3A_469 = arith.truncf %convert_element_type3A_468 : vector<256x256xf32> to vector<256x256xbf16>
    %dot_general3A_470 = arith.constant dense<0.000000e+00> : vector<256x1xf32>
    %dot_general3A_471 = tpu.matmul %convert_element_type3A_469, %broadcast_in_dim3A_24, %dot_general3A_470 {dimension_numbers = #tpu.dot_dimension_numbers<[1], [0], [0], [1], [0, 0, 1, 1], [], []>, transpose_lhs_hint = false} : vector<256x256xbf16>, vector<256x1xbf16>, vector<256x1xf32> -> vector<256x1xf32>
    %add3A_472 = arith.addf %dot_general3A_462, %dot_general3A_471 : vector<256x1xf32>
    %dot_general3A_473 = arith.constant dense<0.000000e+00> : vector<1x256xf32>
    %dot_general3A_474 = tpu.matmul %broadcast_in_dim3A_26, %convert_element_type3A_469, %dot_general3A_473 {dimension_numbers = #tpu.dot_dimension_numbers<[1], [0], [0], [1], [0, 0, 1, 1], [], []>, transpose_lhs_hint = false} : vector<1x256xbf16>, vector<256x256xbf16>, vector<1x256xf32> -> vector<1x256xf32>
    %sub3A_475 = arith.constant 2.560000e+02 : f32
    %sub3A_476 = vector.broadcast %sub3A_475 : f32 to vector<1x256xf32>
    %sub3A_477 = arith.subf %sub3A_476, %dot_general3A_474 : vector<1x256xf32>
    %add3A_478 = arith.addf %add3A_415, %sub3A_477 : vector<1x256xf32>
    %slice3A_479 = vector.extract_strided_slice %transpose3A_22 {offsets = [0, 1536], sizes = [1, 256], strides = [1, 1]} : vector<1x2048xf32> to vector<1x256xf32>
    %gt3A_480 = vector.broadcast %slice3A_479 : vector<1x256xf32> to vector<256x256xf32>
    %gt3A_481 = vector.broadcast %slice3A_448 : vector<256x1xf32> to vector<256x256xf32>
    %gt3A_482 = arith.cmpf ogt, %gt3A_480, %gt3A_481 : vector<256x256xf32>
    %convert_element_type3A_483 = arith.extui %gt3A_482 : vector<256x256xi1> to vector<256x256xi32>
    %convert_element_type3A_484 = arith.sitofp %convert_element_type3A_483 : vector<256x256xi32> to vector<256x256xf32>
    %convert_element_type3A_485 = arith.truncf %convert_element_type3A_484 : vector<256x256xf32> to vector<256x256xbf16>
    %dot_general3A_486 = arith.constant dense<0.000000e+00> : vector<256x1xf32>
    %dot_general3A_487 = tpu.matmul %convert_element_type3A_485, %broadcast_in_dim3A_24, %dot_general3A_486 {dimension_numbers = #tpu.dot_dimension_numbers<[1], [0], [0], [1], [0, 0, 1, 1], [], []>, transpose_lhs_hint = false} : vector<256x256xbf16>, vector<256x1xbf16>, vector<256x1xf32> -> vector<256x1xf32>
    %add3A_488 = arith.addf %add3A_472, %dot_general3A_487 : vector<256x1xf32>
    %dot_general3A_489 = arith.constant dense<0.000000e+00> : vector<1x256xf32>
    %dot_general3A_490 = tpu.matmul %broadcast_in_dim3A_26, %convert_element_type3A_485, %dot_general3A_489 {dimension_numbers = #tpu.dot_dimension_numbers<[1], [0], [0], [1], [0, 0, 1, 1], [], []>, transpose_lhs_hint = false} : vector<1x256xbf16>, vector<256x256xbf16>, vector<1x256xf32> -> vector<1x256xf32>
    %sub3A_491 = arith.constant 2.560000e+02 : f32
    %sub3A_492 = vector.broadcast %sub3A_491 : f32 to vector<1x256xf32>
    %sub3A_493 = arith.subf %sub3A_492, %dot_general3A_490 : vector<1x256xf32>
    %add3A_494 = arith.addf %add3A_431, %sub3A_493 : vector<1x256xf32>
    %slice3A_495 = vector.extract_strided_slice %transpose3A_22 {offsets = [0, 1792], sizes = [1, 256], strides = [1, 1]} : vector<1x2048xf32> to vector<1x256xf32>
    %gt3A_496 = vector.broadcast %slice3A_495 : vector<1x256xf32> to vector<256x256xf32>
    %gt3A_497 = vector.broadcast %slice3A_448 : vector<256x1xf32> to vector<256x256xf32>
    %gt3A_498 = arith.cmpf ogt, %gt3A_496, %gt3A_497 : vector<256x256xf32>
    %convert_element_type3A_499 = arith.extui %gt3A_498 : vector<256x256xi1> to vector<256x256xi32>
    %convert_element_type3A_500 = arith.sitofp %convert_element_type3A_499 : vector<256x256xi32> to vector<256x256xf32>
    %convert_element_type3A_501 = arith.truncf %convert_element_type3A_500 : vector<256x256xf32> to vector<256x256xbf16>
    %dot_general3A_502 = arith.constant dense<0.000000e+00> : vector<256x1xf32>
    %dot_general3A_503 = tpu.matmul %convert_element_type3A_501, %broadcast_in_dim3A_24, %dot_general3A_502 {dimension_numbers = #tpu.dot_dimension_numbers<[1], [0], [0], [1], [0, 0, 1, 1], [], []>, transpose_lhs_hint = false} : vector<256x256xbf16>, vector<256x1xbf16>, vector<256x1xf32> -> vector<256x1xf32>
    %add3A_504 = arith.addf %add3A_488, %dot_general3A_503 : vector<256x1xf32>
    %dot_general3A_505 = arith.constant dense<0.000000e+00> : vector<1x256xf32>
    %dot_general3A_506 = tpu.matmul %broadcast_in_dim3A_26, %convert_element_type3A_501, %dot_general3A_505 {dimension_numbers = #tpu.dot_dimension_numbers<[1], [0], [0], [1], [0, 0, 1, 1], [], []>, transpose_lhs_hint = false} : vector<1x256xbf16>, vector<256x256xbf16>, vector<1x256xf32> -> vector<1x256xf32>
    %sub3A_507 = arith.constant 2.560000e+02 : f32
    %sub3A_508 = vector.broadcast %sub3A_507 : f32 to vector<1x256xf32>
    %sub3A_509 = arith.subf %sub3A_508, %dot_general3A_506 : vector<1x256xf32>
    %add3A_510 = arith.addf %add3A_447, %sub3A_509 : vector<1x256xf32>
    %slice3A_511 = vector.extract_strided_slice %logistic3A_15 {offsets = [1280, 0], sizes = [256, 1], strides = [1, 1]} : vector<2048x1xf32> to vector<256x1xf32>
    %slice3A_512 = vector.extract_strided_slice %transpose3A_22 {offsets = [0, 1280], sizes = [1, 256], strides = [1, 1]} : vector<1x2048xf32> to vector<1x256xf32>
    %gt3A_513 = vector.broadcast %slice3A_512 : vector<1x256xf32> to vector<256x256xf32>
    %gt3A_514 = vector.broadcast %slice3A_511 : vector<256x1xf32> to vector<256x256xf32>
    %gt3A_515 = arith.cmpf ogt, %gt3A_513, %gt3A_514 : vector<256x256xf32>
    %eq3A_516 = vector.broadcast %slice3A_512 : vector<1x256xf32> to vector<256x256xf32>
    %eq3A_517 = vector.broadcast %slice3A_511 : vector<256x1xf32> to vector<256x256xf32>
    %eq3A_518 = arith.cmpf oeq, %eq3A_516, %eq3A_517 : vector<256x256xf32>
    %and3A_519 = arith.andi %eq3A_518, %lt3A : vector<256x256xi1>
    %or3A_520 = arith.ori %gt3A_515, %and3A_519 : vector<256x256xi1>
    %convert_element_type3A_521 = arith.extui %or3A_520 : vector<256x256xi1> to vector<256x256xi32>
    %convert_element_type3A_522 = arith.sitofp %convert_element_type3A_521 : vector<256x256xi32> to vector<256x256xf32>
    %convert_element_type3A_523 = arith.truncf %convert_element_type3A_522 : vector<256x256xf32> to vector<256x256xbf16>
    %dot_general3A_524 = arith.constant dense<0.000000e+00> : vector<256x1xf32>
    %dot_general3A_525 = tpu.matmul %convert_element_type3A_523, %broadcast_in_dim3A_24, %dot_general3A_524 {dimension_numbers = #tpu.dot_dimension_numbers<[1], [0], [0], [1], [0, 0, 1, 1], [], []>, transpose_lhs_hint = false} : vector<256x256xbf16>, vector<256x1xbf16>, vector<256x1xf32> -> vector<256x1xf32>
    %slice3A_526 = vector.extract_strided_slice %transpose3A_22 {offsets = [0, 1536], sizes = [1, 256], strides = [1, 1]} : vector<1x2048xf32> to vector<1x256xf32>
    %gt3A_527 = vector.broadcast %slice3A_526 : vector<1x256xf32> to vector<256x256xf32>
    %gt3A_528 = vector.broadcast %slice3A_511 : vector<256x1xf32> to vector<256x256xf32>
    %gt3A_529 = arith.cmpf ogt, %gt3A_527, %gt3A_528 : vector<256x256xf32>
    %convert_element_type3A_530 = arith.extui %gt3A_529 : vector<256x256xi1> to vector<256x256xi32>
    %convert_element_type3A_531 = arith.sitofp %convert_element_type3A_530 : vector<256x256xi32> to vector<256x256xf32>
    %convert_element_type3A_532 = arith.truncf %convert_element_type3A_531 : vector<256x256xf32> to vector<256x256xbf16>
    %dot_general3A_533 = arith.constant dense<0.000000e+00> : vector<256x1xf32>
    %dot_general3A_534 = tpu.matmul %convert_element_type3A_532, %broadcast_in_dim3A_24, %dot_general3A_533 {dimension_numbers = #tpu.dot_dimension_numbers<[1], [0], [0], [1], [0, 0, 1, 1], [], []>, transpose_lhs_hint = false} : vector<256x256xbf16>, vector<256x1xbf16>, vector<256x1xf32> -> vector<256x1xf32>
    %add3A_535 = arith.addf %dot_general3A_525, %dot_general3A_534 : vector<256x1xf32>
    %dot_general3A_536 = arith.constant dense<0.000000e+00> : vector<1x256xf32>
    %dot_general3A_537 = tpu.matmul %broadcast_in_dim3A_26, %convert_element_type3A_532, %dot_general3A_536 {dimension_numbers = #tpu.dot_dimension_numbers<[1], [0], [0], [1], [0, 0, 1, 1], [], []>, transpose_lhs_hint = false} : vector<1x256xbf16>, vector<256x256xbf16>, vector<1x256xf32> -> vector<1x256xf32>
    %sub3A_538 = arith.constant 2.560000e+02 : f32
    %sub3A_539 = vector.broadcast %sub3A_538 : f32 to vector<1x256xf32>
    %sub3A_540 = arith.subf %sub3A_539, %dot_general3A_537 : vector<1x256xf32>
    %add3A_541 = arith.addf %add3A_494, %sub3A_540 : vector<1x256xf32>
    %slice3A_542 = vector.extract_strided_slice %transpose3A_22 {offsets = [0, 1792], sizes = [1, 256], strides = [1, 1]} : vector<1x2048xf32> to vector<1x256xf32>
    %gt3A_543 = vector.broadcast %slice3A_542 : vector<1x256xf32> to vector<256x256xf32>
    %gt3A_544 = vector.broadcast %slice3A_511 : vector<256x1xf32> to vector<256x256xf32>
    %gt3A_545 = arith.cmpf ogt, %gt3A_543, %gt3A_544 : vector<256x256xf32>
    %convert_element_type3A_546 = arith.extui %gt3A_545 : vector<256x256xi1> to vector<256x256xi32>
    %convert_element_type3A_547 = arith.sitofp %convert_element_type3A_546 : vector<256x256xi32> to vector<256x256xf32>
    %convert_element_type3A_548 = arith.truncf %convert_element_type3A_547 : vector<256x256xf32> to vector<256x256xbf16>
    %dot_general3A_549 = arith.constant dense<0.000000e+00> : vector<256x1xf32>
    %dot_general3A_550 = tpu.matmul %convert_element_type3A_548, %broadcast_in_dim3A_24, %dot_general3A_549 {dimension_numbers = #tpu.dot_dimension_numbers<[1], [0], [0], [1], [0, 0, 1, 1], [], []>, transpose_lhs_hint = false} : vector<256x256xbf16>, vector<256x1xbf16>, vector<256x1xf32> -> vector<256x1xf32>
    %add3A_551 = arith.addf %add3A_535, %dot_general3A_550 : vector<256x1xf32>
    %dot_general3A_552 = arith.constant dense<0.000000e+00> : vector<1x256xf32>
    %dot_general3A_553 = tpu.matmul %broadcast_in_dim3A_26, %convert_element_type3A_548, %dot_general3A_552 {dimension_numbers = #tpu.dot_dimension_numbers<[1], [0], [0], [1], [0, 0, 1, 1], [], []>, transpose_lhs_hint = false} : vector<1x256xbf16>, vector<256x256xbf16>, vector<1x256xf32> -> vector<1x256xf32>
    %sub3A_554 = arith.constant 2.560000e+02 : f32
    %sub3A_555 = vector.broadcast %sub3A_554 : f32 to vector<1x256xf32>
    %sub3A_556 = arith.subf %sub3A_555, %dot_general3A_553 : vector<1x256xf32>
    %add3A_557 = arith.addf %add3A_510, %sub3A_556 : vector<1x256xf32>
    %slice3A_558 = vector.extract_strided_slice %logistic3A_15 {offsets = [1536, 0], sizes = [256, 1], strides = [1, 1]} : vector<2048x1xf32> to vector<256x1xf32>
    %slice3A_559 = vector.extract_strided_slice %transpose3A_22 {offsets = [0, 1536], sizes = [1, 256], strides = [1, 1]} : vector<1x2048xf32> to vector<1x256xf32>
    %gt3A_560 = vector.broadcast %slice3A_559 : vector<1x256xf32> to vector<256x256xf32>
    %gt3A_561 = vector.broadcast %slice3A_558 : vector<256x1xf32> to vector<256x256xf32>
    %gt3A_562 = arith.cmpf ogt, %gt3A_560, %gt3A_561 : vector<256x256xf32>
    %eq3A_563 = vector.broadcast %slice3A_559 : vector<1x256xf32> to vector<256x256xf32>
    %eq3A_564 = vector.broadcast %slice3A_558 : vector<256x1xf32> to vector<256x256xf32>
    %eq3A_565 = arith.cmpf oeq, %eq3A_563, %eq3A_564 : vector<256x256xf32>
    %and3A_566 = arith.andi %eq3A_565, %lt3A : vector<256x256xi1>
    %or3A_567 = arith.ori %gt3A_562, %and3A_566 : vector<256x256xi1>
    %convert_element_type3A_568 = arith.extui %or3A_567 : vector<256x256xi1> to vector<256x256xi32>
    %convert_element_type3A_569 = arith.sitofp %convert_element_type3A_568 : vector<256x256xi32> to vector<256x256xf32>
    %convert_element_type3A_570 = arith.truncf %convert_element_type3A_569 : vector<256x256xf32> to vector<256x256xbf16>
    %dot_general3A_571 = arith.constant dense<0.000000e+00> : vector<256x1xf32>
    %dot_general3A_572 = tpu.matmul %convert_element_type3A_570, %broadcast_in_dim3A_24, %dot_general3A_571 {dimension_numbers = #tpu.dot_dimension_numbers<[1], [0], [0], [1], [0, 0, 1, 1], [], []>, transpose_lhs_hint = false} : vector<256x256xbf16>, vector<256x1xbf16>, vector<256x1xf32> -> vector<256x1xf32>
    %slice3A_573 = vector.extract_strided_slice %transpose3A_22 {offsets = [0, 1792], sizes = [1, 256], strides = [1, 1]} : vector<1x2048xf32> to vector<1x256xf32>
    %gt3A_574 = vector.broadcast %slice3A_573 : vector<1x256xf32> to vector<256x256xf32>
    %gt3A_575 = vector.broadcast %slice3A_558 : vector<256x1xf32> to vector<256x256xf32>
    %gt3A_576 = arith.cmpf ogt, %gt3A_574, %gt3A_575 : vector<256x256xf32>
    %convert_element_type3A_577 = arith.extui %gt3A_576 : vector<256x256xi1> to vector<256x256xi32>
    %convert_element_type3A_578 = arith.sitofp %convert_element_type3A_577 : vector<256x256xi32> to vector<256x256xf32>
    %convert_element_type3A_579 = arith.truncf %convert_element_type3A_578 : vector<256x256xf32> to vector<256x256xbf16>
    %dot_general3A_580 = arith.constant dense<0.000000e+00> : vector<256x1xf32>
    %dot_general3A_581 = tpu.matmul %convert_element_type3A_579, %broadcast_in_dim3A_24, %dot_general3A_580 {dimension_numbers = #tpu.dot_dimension_numbers<[1], [0], [0], [1], [0, 0, 1, 1], [], []>, transpose_lhs_hint = false} : vector<256x256xbf16>, vector<256x1xbf16>, vector<256x1xf32> -> vector<256x1xf32>
    %add3A_582 = arith.addf %dot_general3A_572, %dot_general3A_581 : vector<256x1xf32>
    %dot_general3A_583 = arith.constant dense<0.000000e+00> : vector<1x256xf32>
    %dot_general3A_584 = tpu.matmul %broadcast_in_dim3A_26, %convert_element_type3A_579, %dot_general3A_583 {dimension_numbers = #tpu.dot_dimension_numbers<[1], [0], [0], [1], [0, 0, 1, 1], [], []>, transpose_lhs_hint = false} : vector<1x256xbf16>, vector<256x256xbf16>, vector<1x256xf32> -> vector<1x256xf32>
    %sub3A_585 = arith.constant 2.560000e+02 : f32
    %sub3A_586 = vector.broadcast %sub3A_585 : f32 to vector<1x256xf32>
    %sub3A_587 = arith.subf %sub3A_586, %dot_general3A_584 : vector<1x256xf32>
    %add3A_588 = arith.addf %add3A_557, %sub3A_587 : vector<1x256xf32>
    %slice3A_589 = vector.extract_strided_slice %logistic3A_15 {offsets = [1792, 0], sizes = [256, 1], strides = [1, 1]} : vector<2048x1xf32> to vector<256x1xf32>
    %slice3A_590 = vector.extract_strided_slice %transpose3A_22 {offsets = [0, 1792], sizes = [1, 256], strides = [1, 1]} : vector<1x2048xf32> to vector<1x256xf32>
    %gt3A_591 = vector.broadcast %slice3A_590 : vector<1x256xf32> to vector<256x256xf32>
    %gt3A_592 = vector.broadcast %slice3A_589 : vector<256x1xf32> to vector<256x256xf32>
    %gt3A_593 = arith.cmpf ogt, %gt3A_591, %gt3A_592 : vector<256x256xf32>
    %eq3A_594 = vector.broadcast %slice3A_590 : vector<1x256xf32> to vector<256x256xf32>
    %eq3A_595 = vector.broadcast %slice3A_589 : vector<256x1xf32> to vector<256x256xf32>
    %eq3A_596 = arith.cmpf oeq, %eq3A_594, %eq3A_595 : vector<256x256xf32>
    %and3A_597 = arith.andi %eq3A_596, %lt3A : vector<256x256xi1>
    %or3A_598 = arith.ori %gt3A_593, %and3A_597 : vector<256x256xi1>
    %convert_element_type3A_599 = arith.extui %or3A_598 : vector<256x256xi1> to vector<256x256xi32>
    %convert_element_type3A_600 = arith.sitofp %convert_element_type3A_599 : vector<256x256xi32> to vector<256x256xf32>
    %convert_element_type3A_601 = arith.truncf %convert_element_type3A_600 : vector<256x256xf32> to vector<256x256xbf16>
    %dot_general3A_602 = arith.constant dense<0.000000e+00> : vector<256x1xf32>
    %dot_general3A_603 = tpu.matmul %convert_element_type3A_601, %broadcast_in_dim3A_24, %dot_general3A_602 {dimension_numbers = #tpu.dot_dimension_numbers<[1], [0], [0], [1], [0, 0, 1, 1], [], []>, transpose_lhs_hint = false} : vector<256x256xbf16>, vector<256x1xbf16>, vector<256x1xf32> -> vector<256x1xf32>
    %concatenate3A = tpu.concatenate %add3A_156, %add3A_267, %add3A_362, %add3A_441, %add3A_504, %add3A_551, %add3A_582, %dot_general3A_603 in 0 : vector<256x1xf32>, vector<256x1xf32>, vector<256x1xf32>, vector<256x1xf32>, vector<256x1xf32>, vector<256x1xf32>, vector<256x1xf32>, vector<256x1xf32> -> vector<2048x1xf32>
    %concatenate3A_604 = tpu.concatenate %broadcast_in_dim3A_28, %add3A_66, %add3A_193, %add3A_304, %add3A_399, %add3A_478, %add3A_541, %add3A_588 in 1 : vector<1x256xf32>, vector<1x256xf32>, vector<1x256xf32>, vector<1x256xf32>, vector<1x256xf32>, vector<1x256xf32>, vector<1x256xf32>, vector<1x256xf32> -> vector<1x2048xf32>
    %transpose3A_605 = tpu.transpose %concatenate3A_604, [1, 0] : vector<1x2048xf32> -> vector<2048x1xf32>
    %add3A_606 = arith.addf %concatenate3A, %transpose3A_605 : vector<2048x1xf32>
    %iota3A_607 = tpu.iota {dimensions = array<i32: 1>} : vector<1x512xi32>
    %convert_element_type3A_608 = arith.sitofp %iota3A_607 : vector<1x512xi32> to vector<1x512xf32>
    %iota3A_609 = tpu.iota {dimensions = array<i32: 1>} : vector<1x256xi32>
    %convert_element_type3A_610 = arith.sitofp %iota3A_609 : vector<1x256xi32> to vector<1x256xbf16>
    %broadcast_in_dim3A_611 = arith.constant 0.000000e+00 : f32
    %broadcast_in_dim3A_612 = vector.broadcast %broadcast_in_dim3A_611 : f32 to vector<1x512xf32>
    %slice3A_613 = vector.extract_strided_slice %add3A_606 {offsets = [0, 0], sizes = [256, 1], strides = [1, 1]} : vector<2048x1xf32> to vector<256x1xf32>
    %eq3A_614 = vector.broadcast %slice3A_613 : vector<256x1xf32> to vector<256x512xf32>
    %eq3A_615 = vector.broadcast %convert_element_type3A_608 : vector<1x512xf32> to vector<256x512xf32>
    %eq3A_616 = arith.cmpf oeq, %eq3A_614, %eq3A_615 : vector<256x512xf32>
    %convert_element_type3A_617 = arith.extui %eq3A_616 : vector<256x512xi1> to vector<256x512xi32>
    %convert_element_type3A_618 = arith.sitofp %convert_element_type3A_617 : vector<256x512xi32> to vector<256x512xf32>
    %convert_element_type3A_619 = arith.truncf %convert_element_type3A_618 : vector<256x512xf32> to vector<256x512xbf16>
    %dot_general3A_620 = arith.constant dense<0.000000e+00> : vector<1x512xf32>
    %dot_general3A_621 = tpu.matmul %broadcast_in_dim3A_26, %convert_element_type3A_619, %dot_general3A_620 {dimension_numbers = #tpu.dot_dimension_numbers<[1], [0], [0], [1], [0, 0, 1, 1], [], []>, transpose_lhs_hint = false} : vector<1x256xbf16>, vector<256x512xbf16>, vector<1x512xf32> -> vector<1x512xf32>
    %dot_general3A_622 = arith.constant dense<0.000000e+00> : vector<1x512xf32>
    %dot_general3A_623 = tpu.matmul %convert_element_type3A_610, %convert_element_type3A_619, %dot_general3A_622 {dimension_numbers = #tpu.dot_dimension_numbers<[1], [0], [0], [1], [0, 0, 1, 1], [], []>, transpose_lhs_hint = false} : vector<1x256xbf16>, vector<256x512xbf16>, vector<1x512xf32> -> vector<1x512xf32>
    %mul3A_624 = arith.constant 2048 : i32
    %mul3A_625 = arith.muli %arg0, %mul3A_624 : i32
    %add3A_626 = arith.constant 0 : i32
    %add3A_627 = arith.addi %mul3A_625, %add3A_626 : i32
    %convert_element_type3A_628 = arith.sitofp %add3A_627 : i32 to f32
    %mul3A_629 = vector.broadcast %convert_element_type3A_628 : f32 to vector<1x512xf32>
    %mul3A_630 = arith.mulf %mul3A_629, %dot_general3A_621 : vector<1x512xf32>
    %add3A_631 = arith.addf %broadcast_in_dim3A_612, %mul3A_630 : vector<1x512xf32>
    %add3A_632 = arith.addf %add3A_631, %dot_general3A_623 : vector<1x512xf32>
    %slice3A_633 = vector.extract_strided_slice %add3A_606 {offsets = [256, 0], sizes = [256, 1], strides = [1, 1]} : vector<2048x1xf32> to vector<256x1xf32>
    %eq3A_634 = vector.broadcast %slice3A_633 : vector<256x1xf32> to vector<256x512xf32>
    %eq3A_635 = vector.broadcast %convert_element_type3A_608 : vector<1x512xf32> to vector<256x512xf32>
    %eq3A_636 = arith.cmpf oeq, %eq3A_634, %eq3A_635 : vector<256x512xf32>
    %convert_element_type3A_637 = arith.extui %eq3A_636 : vector<256x512xi1> to vector<256x512xi32>
    %convert_element_type3A_638 = arith.sitofp %convert_element_type3A_637 : vector<256x512xi32> to vector<256x512xf32>
    %convert_element_type3A_639 = arith.truncf %convert_element_type3A_638 : vector<256x512xf32> to vector<256x512xbf16>
    %dot_general3A_640 = arith.constant dense<0.000000e+00> : vector<1x512xf32>
    %dot_general3A_641 = tpu.matmul %broadcast_in_dim3A_26, %convert_element_type3A_639, %dot_general3A_640 {dimension_numbers = #tpu.dot_dimension_numbers<[1], [0], [0], [1], [0, 0, 1, 1], [], []>, transpose_lhs_hint = false} : vector<1x256xbf16>, vector<256x512xbf16>, vector<1x512xf32> -> vector<1x512xf32>
    %dot_general3A_642 = arith.constant dense<0.000000e+00> : vector<1x512xf32>
    %dot_general3A_643 = tpu.matmul %convert_element_type3A_610, %convert_element_type3A_639, %dot_general3A_642 {dimension_numbers = #tpu.dot_dimension_numbers<[1], [0], [0], [1], [0, 0, 1, 1], [], []>, transpose_lhs_hint = false} : vector<1x256xbf16>, vector<256x512xbf16>, vector<1x512xf32> -> vector<1x512xf32>
    %mul3A_644 = arith.constant 2048 : i32
    %mul3A_645 = arith.muli %arg0, %mul3A_644 : i32
    %add3A_646 = arith.constant 256 : i32
    %add3A_647 = arith.addi %mul3A_645, %add3A_646 : i32
    %convert_element_type3A_648 = arith.sitofp %add3A_647 : i32 to f32
    %mul3A_649 = vector.broadcast %convert_element_type3A_648 : f32 to vector<1x512xf32>
    %mul3A_650 = arith.mulf %mul3A_649, %dot_general3A_641 : vector<1x512xf32>
    %add3A_651 = arith.addf %add3A_632, %mul3A_650 : vector<1x512xf32>
    %add3A_652 = arith.addf %add3A_651, %dot_general3A_643 : vector<1x512xf32>
    %slice3A_653 = vector.extract_strided_slice %add3A_606 {offsets = [512, 0], sizes = [256, 1], strides = [1, 1]} : vector<2048x1xf32> to vector<256x1xf32>
    %eq3A_654 = vector.broadcast %slice3A_653 : vector<256x1xf32> to vector<256x512xf32>
    %eq3A_655 = vector.broadcast %convert_element_type3A_608 : vector<1x512xf32> to vector<256x512xf32>
    %eq3A_656 = arith.cmpf oeq, %eq3A_654, %eq3A_655 : vector<256x512xf32>
    %convert_element_type3A_657 = arith.extui %eq3A_656 : vector<256x512xi1> to vector<256x512xi32>
    %convert_element_type3A_658 = arith.sitofp %convert_element_type3A_657 : vector<256x512xi32> to vector<256x512xf32>
    %convert_element_type3A_659 = arith.truncf %convert_element_type3A_658 : vector<256x512xf32> to vector<256x512xbf16>
    %dot_general3A_660 = arith.constant dense<0.000000e+00> : vector<1x512xf32>
    %dot_general3A_661 = tpu.matmul %broadcast_in_dim3A_26, %convert_element_type3A_659, %dot_general3A_660 {dimension_numbers = #tpu.dot_dimension_numbers<[1], [0], [0], [1], [0, 0, 1, 1], [], []>, transpose_lhs_hint = false} : vector<1x256xbf16>, vector<256x512xbf16>, vector<1x512xf32> -> vector<1x512xf32>
    %dot_general3A_662 = arith.constant dense<0.000000e+00> : vector<1x512xf32>
    %dot_general3A_663 = tpu.matmul %convert_element_type3A_610, %convert_element_type3A_659, %dot_general3A_662 {dimension_numbers = #tpu.dot_dimension_numbers<[1], [0], [0], [1], [0, 0, 1, 1], [], []>, transpose_lhs_hint = false} : vector<1x256xbf16>, vector<256x512xbf16>, vector<1x512xf32> -> vector<1x512xf32>
    %mul3A_664 = arith.constant 2048 : i32
    %mul3A_665 = arith.muli %arg0, %mul3A_664 : i32
    %add3A_666 = arith.constant 512 : i32
    %add3A_667 = arith.addi %mul3A_665, %add3A_666 : i32
    %convert_element_type3A_668 = arith.sitofp %add3A_667 : i32 to f32
    %mul3A_669 = vector.broadcast %convert_element_type3A_668 : f32 to vector<1x512xf32>
    %mul3A_670 = arith.mulf %mul3A_669, %dot_general3A_661 : vector<1x512xf32>
    %add3A_671 = arith.addf %add3A_652, %mul3A_670 : vector<1x512xf32>
    %add3A_672 = arith.addf %add3A_671, %dot_general3A_663 : vector<1x512xf32>
    %slice3A_673 = vector.extract_strided_slice %add3A_606 {offsets = [768, 0], sizes = [256, 1], strides = [1, 1]} : vector<2048x1xf32> to vector<256x1xf32>
    %eq3A_674 = vector.broadcast %slice3A_673 : vector<256x1xf32> to vector<256x512xf32>
    %eq3A_675 = vector.broadcast %convert_element_type3A_608 : vector<1x512xf32> to vector<256x512xf32>
    %eq3A_676 = arith.cmpf oeq, %eq3A_674, %eq3A_675 : vector<256x512xf32>
    %convert_element_type3A_677 = arith.extui %eq3A_676 : vector<256x512xi1> to vector<256x512xi32>
    %convert_element_type3A_678 = arith.sitofp %convert_element_type3A_677 : vector<256x512xi32> to vector<256x512xf32>
    %convert_element_type3A_679 = arith.truncf %convert_element_type3A_678 : vector<256x512xf32> to vector<256x512xbf16>
    %dot_general3A_680 = arith.constant dense<0.000000e+00> : vector<1x512xf32>
    %dot_general3A_681 = tpu.matmul %broadcast_in_dim3A_26, %convert_element_type3A_679, %dot_general3A_680 {dimension_numbers = #tpu.dot_dimension_numbers<[1], [0], [0], [1], [0, 0, 1, 1], [], []>, transpose_lhs_hint = false} : vector<1x256xbf16>, vector<256x512xbf16>, vector<1x512xf32> -> vector<1x512xf32>
    %dot_general3A_682 = arith.constant dense<0.000000e+00> : vector<1x512xf32>
    %dot_general3A_683 = tpu.matmul %convert_element_type3A_610, %convert_element_type3A_679, %dot_general3A_682 {dimension_numbers = #tpu.dot_dimension_numbers<[1], [0], [0], [1], [0, 0, 1, 1], [], []>, transpose_lhs_hint = false} : vector<1x256xbf16>, vector<256x512xbf16>, vector<1x512xf32> -> vector<1x512xf32>
    %mul3A_684 = arith.constant 2048 : i32
    %mul3A_685 = arith.muli %arg0, %mul3A_684 : i32
    %add3A_686 = arith.constant 768 : i32
    %add3A_687 = arith.addi %mul3A_685, %add3A_686 : i32
    %convert_element_type3A_688 = arith.sitofp %add3A_687 : i32 to f32
    %mul3A_689 = vector.broadcast %convert_element_type3A_688 : f32 to vector<1x512xf32>
    %mul3A_690 = arith.mulf %mul3A_689, %dot_general3A_681 : vector<1x512xf32>
    %add3A_691 = arith.addf %add3A_672, %mul3A_690 : vector<1x512xf32>
    %add3A_692 = arith.addf %add3A_691, %dot_general3A_683 : vector<1x512xf32>
    %slice3A_693 = vector.extract_strided_slice %add3A_606 {offsets = [1024, 0], sizes = [256, 1], strides = [1, 1]} : vector<2048x1xf32> to vector<256x1xf32>
    %eq3A_694 = vector.broadcast %slice3A_693 : vector<256x1xf32> to vector<256x512xf32>
    %eq3A_695 = vector.broadcast %convert_element_type3A_608 : vector<1x512xf32> to vector<256x512xf32>
    %eq3A_696 = arith.cmpf oeq, %eq3A_694, %eq3A_695 : vector<256x512xf32>
    %convert_element_type3A_697 = arith.extui %eq3A_696 : vector<256x512xi1> to vector<256x512xi32>
    %convert_element_type3A_698 = arith.sitofp %convert_element_type3A_697 : vector<256x512xi32> to vector<256x512xf32>
    %convert_element_type3A_699 = arith.truncf %convert_element_type3A_698 : vector<256x512xf32> to vector<256x512xbf16>
    %dot_general3A_700 = arith.constant dense<0.000000e+00> : vector<1x512xf32>
    %dot_general3A_701 = tpu.matmul %broadcast_in_dim3A_26, %convert_element_type3A_699, %dot_general3A_700 {dimension_numbers = #tpu.dot_dimension_numbers<[1], [0], [0], [1], [0, 0, 1, 1], [], []>, transpose_lhs_hint = false} : vector<1x256xbf16>, vector<256x512xbf16>, vector<1x512xf32> -> vector<1x512xf32>
    %dot_general3A_702 = arith.constant dense<0.000000e+00> : vector<1x512xf32>
    %dot_general3A_703 = tpu.matmul %convert_element_type3A_610, %convert_element_type3A_699, %dot_general3A_702 {dimension_numbers = #tpu.dot_dimension_numbers<[1], [0], [0], [1], [0, 0, 1, 1], [], []>, transpose_lhs_hint = false} : vector<1x256xbf16>, vector<256x512xbf16>, vector<1x512xf32> -> vector<1x512xf32>
    %mul3A_704 = arith.constant 2048 : i32
    %mul3A_705 = arith.muli %arg0, %mul3A_704 : i32
    %add3A_706 = arith.constant 1024 : i32
    %add3A_707 = arith.addi %mul3A_705, %add3A_706 : i32
    %convert_element_type3A_708 = arith.sitofp %add3A_707 : i32 to f32
    %mul3A_709 = vector.broadcast %convert_element_type3A_708 : f32 to vector<1x512xf32>
    %mul3A_710 = arith.mulf %mul3A_709, %dot_general3A_701 : vector<1x512xf32>
    %add3A_711 = arith.addf %add3A_692, %mul3A_710 : vector<1x512xf32>
    %add3A_712 = arith.addf %add3A_711, %dot_general3A_703 : vector<1x512xf32>
    %slice3A_713 = vector.extract_strided_slice %add3A_606 {offsets = [1280, 0], sizes = [256, 1], strides = [1, 1]} : vector<2048x1xf32> to vector<256x1xf32>
    %eq3A_714 = vector.broadcast %slice3A_713 : vector<256x1xf32> to vector<256x512xf32>
    %eq3A_715 = vector.broadcast %convert_element_type3A_608 : vector<1x512xf32> to vector<256x512xf32>
    %eq3A_716 = arith.cmpf oeq, %eq3A_714, %eq3A_715 : vector<256x512xf32>
    %convert_element_type3A_717 = arith.extui %eq3A_716 : vector<256x512xi1> to vector<256x512xi32>
    %convert_element_type3A_718 = arith.sitofp %convert_element_type3A_717 : vector<256x512xi32> to vector<256x512xf32>
    %convert_element_type3A_719 = arith.truncf %convert_element_type3A_718 : vector<256x512xf32> to vector<256x512xbf16>
    %dot_general3A_720 = arith.constant dense<0.000000e+00> : vector<1x512xf32>
    %dot_general3A_721 = tpu.matmul %broadcast_in_dim3A_26, %convert_element_type3A_719, %dot_general3A_720 {dimension_numbers = #tpu.dot_dimension_numbers<[1], [0], [0], [1], [0, 0, 1, 1], [], []>, transpose_lhs_hint = false} : vector<1x256xbf16>, vector<256x512xbf16>, vector<1x512xf32> -> vector<1x512xf32>
    %dot_general3A_722 = arith.constant dense<0.000000e+00> : vector<1x512xf32>
    %dot_general3A_723 = tpu.matmul %convert_element_type3A_610, %convert_element_type3A_719, %dot_general3A_722 {dimension_numbers = #tpu.dot_dimension_numbers<[1], [0], [0], [1], [0, 0, 1, 1], [], []>, transpose_lhs_hint = false} : vector<1x256xbf16>, vector<256x512xbf16>, vector<1x512xf32> -> vector<1x512xf32>
    %mul3A_724 = arith.constant 2048 : i32
    %mul3A_725 = arith.muli %arg0, %mul3A_724 : i32
    %add3A_726 = arith.constant 1280 : i32
    %add3A_727 = arith.addi %mul3A_725, %add3A_726 : i32
    %convert_element_type3A_728 = arith.sitofp %add3A_727 : i32 to f32
    %mul3A_729 = vector.broadcast %convert_element_type3A_728 : f32 to vector<1x512xf32>
    %mul3A_730 = arith.mulf %mul3A_729, %dot_general3A_721 : vector<1x512xf32>
    %add3A_731 = arith.addf %add3A_712, %mul3A_730 : vector<1x512xf32>
    %add3A_732 = arith.addf %add3A_731, %dot_general3A_723 : vector<1x512xf32>
    %slice3A_733 = vector.extract_strided_slice %add3A_606 {offsets = [1536, 0], sizes = [256, 1], strides = [1, 1]} : vector<2048x1xf32> to vector<256x1xf32>
    %eq3A_734 = vector.broadcast %slice3A_733 : vector<256x1xf32> to vector<256x512xf32>
    %eq3A_735 = vector.broadcast %convert_element_type3A_608 : vector<1x512xf32> to vector<256x512xf32>
    %eq3A_736 = arith.cmpf oeq, %eq3A_734, %eq3A_735 : vector<256x512xf32>
    %convert_element_type3A_737 = arith.extui %eq3A_736 : vector<256x512xi1> to vector<256x512xi32>
    %convert_element_type3A_738 = arith.sitofp %convert_element_type3A_737 : vector<256x512xi32> to vector<256x512xf32>
    %convert_element_type3A_739 = arith.truncf %convert_element_type3A_738 : vector<256x512xf32> to vector<256x512xbf16>
    %dot_general3A_740 = arith.constant dense<0.000000e+00> : vector<1x512xf32>
    %dot_general3A_741 = tpu.matmul %broadcast_in_dim3A_26, %convert_element_type3A_739, %dot_general3A_740 {dimension_numbers = #tpu.dot_dimension_numbers<[1], [0], [0], [1], [0, 0, 1, 1], [], []>, transpose_lhs_hint = false} : vector<1x256xbf16>, vector<256x512xbf16>, vector<1x512xf32> -> vector<1x512xf32>
    %dot_general3A_742 = arith.constant dense<0.000000e+00> : vector<1x512xf32>
    %dot_general3A_743 = tpu.matmul %convert_element_type3A_610, %convert_element_type3A_739, %dot_general3A_742 {dimension_numbers = #tpu.dot_dimension_numbers<[1], [0], [0], [1], [0, 0, 1, 1], [], []>, transpose_lhs_hint = false} : vector<1x256xbf16>, vector<256x512xbf16>, vector<1x512xf32> -> vector<1x512xf32>
    %mul3A_744 = arith.constant 2048 : i32
    %mul3A_745 = arith.muli %arg0, %mul3A_744 : i32
    %add3A_746 = arith.constant 1536 : i32
    %add3A_747 = arith.addi %mul3A_745, %add3A_746 : i32
    %convert_element_type3A_748 = arith.sitofp %add3A_747 : i32 to f32
    %mul3A_749 = vector.broadcast %convert_element_type3A_748 : f32 to vector<1x512xf32>
    %mul3A_750 = arith.mulf %mul3A_749, %dot_general3A_741 : vector<1x512xf32>
    %add3A_751 = arith.addf %add3A_732, %mul3A_750 : vector<1x512xf32>
    %add3A_752 = arith.addf %add3A_751, %dot_general3A_743 : vector<1x512xf32>
    %slice3A_753 = vector.extract_strided_slice %add3A_606 {offsets = [1792, 0], sizes = [256, 1], strides = [1, 1]} : vector<2048x1xf32> to vector<256x1xf32>
    %eq3A_754 = vector.broadcast %slice3A_753 : vector<256x1xf32> to vector<256x512xf32>
    %eq3A_755 = vector.broadcast %convert_element_type3A_608 : vector<1x512xf32> to vector<256x512xf32>
    %eq3A_756 = arith.cmpf oeq, %eq3A_754, %eq3A_755 : vector<256x512xf32>
    %convert_element_type3A_757 = arith.extui %eq3A_756 : vector<256x512xi1> to vector<256x512xi32>
    %convert_element_type3A_758 = arith.sitofp %convert_element_type3A_757 : vector<256x512xi32> to vector<256x512xf32>
    %convert_element_type3A_759 = arith.truncf %convert_element_type3A_758 : vector<256x512xf32> to vector<256x512xbf16>
    %dot_general3A_760 = arith.constant dense<0.000000e+00> : vector<1x512xf32>
    %dot_general3A_761 = tpu.matmul %broadcast_in_dim3A_26, %convert_element_type3A_759, %dot_general3A_760 {dimension_numbers = #tpu.dot_dimension_numbers<[1], [0], [0], [1], [0, 0, 1, 1], [], []>, transpose_lhs_hint = false} : vector<1x256xbf16>, vector<256x512xbf16>, vector<1x512xf32> -> vector<1x512xf32>
    %dot_general3A_762 = arith.constant dense<0.000000e+00> : vector<1x512xf32>
    %dot_general3A_763 = tpu.matmul %convert_element_type3A_610, %convert_element_type3A_759, %dot_general3A_762 {dimension_numbers = #tpu.dot_dimension_numbers<[1], [0], [0], [1], [0, 0, 1, 1], [], []>, transpose_lhs_hint = false} : vector<1x256xbf16>, vector<256x512xbf16>, vector<1x512xf32> -> vector<1x512xf32>
    %mul3A_764 = arith.constant 2048 : i32
    %mul3A_765 = arith.muli %arg0, %mul3A_764 : i32
    %add3A_766 = arith.constant 1792 : i32
    %add3A_767 = arith.addi %mul3A_765, %add3A_766 : i32
    %convert_element_type3A_768 = arith.sitofp %add3A_767 : i32 to f32
    %mul3A_769 = vector.broadcast %convert_element_type3A_768 : f32 to vector<1x512xf32>
    %mul3A_770 = arith.mulf %mul3A_769, %dot_general3A_761 : vector<1x512xf32>
    %add3A_771 = arith.addf %add3A_752, %mul3A_770 : vector<1x512xf32>
    %add3A_772 = arith.addf %add3A_771, %dot_general3A_763 : vector<1x512xf32>
    %convert_element_type3A_773 = arith.fptosi %add3A_772 : vector<1x512xf32> to vector<1x512xi32>
    %swap3A_774 = arith.constant 0 : index
    %swap3A_775 = arith.constant 0 : index
    %swap3A_776 = arith.constant 0 : index
    %swap3A_777 = vector.load %arg4[%swap3A_774, %swap3A_775, %swap3A_776] : memref<1x1x512xi32, #tpu.memory_space<vmem>>, vector<1x1x512xi32>
    %swap3A_778 = vector.shape_cast %swap3A_777 : vector<1x1x512xi32> to vector<1x512xi32>
    %swap3A_779 = vector.shape_cast %convert_element_type3A_773 : vector<1x512xi32> to vector<1x1x512xi32>
    tpu.vector_store %arg4[%swap3A_774, %swap3A_775, %swap3A_776], %swap3A_779 {strides = array<i32>} : memref<1x1x512xi32, #tpu.memory_space<vmem>>, vector<1x1x512xi32>,
    return
  }
  func.func @transform_0(%arg0: i32) -> (i32, i32, i32) {
    %c0_i32 = arith.constant 0 : i32
    %c0_i32_0 = arith.constant 0 : i32
    %c0_i32_1 = arith.constant 0 : i32
    return %arg0, %c0_i32, %c0_i32_0 : i32, i32, i32
  }
  func.func @transform_1(%arg0: i32) -> (i32, i32, i32) {
    %c0_i32 = arith.constant 0 : i32
    %c0_i32_0 = arith.constant 0 : i32
    %c0_i32_1 = arith.constant 0 : i32
    return %arg0, %c0_i32, %c0_i32_0 : i32, i32, i32
  }
  func.func @transform_2(%arg0: i32) -> (i32, i32, i32) {
    %c0_i32 = arith.constant 0 : i32
    %c0_i32_0 = arith.constant 0 : i32
    %c0_i32_1 = arith.constant 0 : i32
    return %arg0, %c0_i32, %c0_i32_0 : i32, i32, i32
  }
  func.func @transform_3(%arg0: i32) -> (i32, i32, i32) {
    %c0_i32 = arith.constant 0 : i32
    %c0_i32_0 = arith.constant 0 : i32
    %c0_i32_1 = arith.constant 0 : i32
    return %arg0, %c0_i32, %c0_i32_0 : i32, i32, i32
  }
}

</mosaic_0001>

<sc_bundles>
// kernel: kernel.4.cloned.1.call-start
scs
__scs_entry_jumppad:
0x0: {  	(pc) =	sbr.rel $0x88, $3  }
0x1: {  	(tag) =	ssettag $0x0;
	lr =	simm.s32 $0x1  }
0x2: {  	[smem:$0x3F9E] =	sst lr;
	_ =	strace $0xD0000000  }
0x3: {  	_ = 	snop  }
0x4: {  	_ = 	snop  }
0x5: {  	_ = 	snop  }
0x6: {  	_ = 	snop  }
0x7: {  	_ = 	snop  }
__scs_overlays_trampoline_lowered:
0x8: {  	[smem:$0x3FAD] =	sst s0  }
0x9: {  	[smem:$0x3FAE] =	sst s1  }
0xa: {  	[smem:$0x3FAF] =	sst s2  }
0xb: {  	[smem:$0x3FB0] =	sst s3  }
0xc: {  	[smem:$0x3FB1] =	sst s4  }
0xd: {  	[smem:$0x3FB2] =	sst s5  }
0xe: {  	[smem:$0x3FB3] =	sst s6  }
0xf: {  	[smem:$0x3FB4] =	sst s7  }
0x10: {  	[smem:$0x3FB5] =	sst s8  }
0x11: {  	[smem:$0x3FB6] =	sst s9;
	s0 =	simm.s32 @!p0 $0x0  }
0x12: {  	s1 =	sld [smem:$0x3F9C];
	s0 =	simm.s32 @p0 $0x1  }
0x13: {  	[smem:$0x3FB7] =	sst s0;
	s0 =	simm.s32 @!p1 $0x0  }
0x14: {  	s2 =	sld [smem:$0x3F9B];
	s0 =	simm.s32 @p1 $0x1  }
0x15: {  	[smem:$0x3FB8] =	sst s0;
	s0 =	simm.s32 @!p2 $0x0  }
0x16: {  	s3 =	sld [smem:$0x3FDB];
	s0 =	simm.s32 @p2 $0x1  }
0x17: {  	s4 =	simm.s32 $0x1BF5;
	[smem:$0x3FBA] =	sst s0  }
0x18: {  	s0 =	sld [smem:$0x3F9D];
	_ =	swait.ge [sflag:s4], $0x0  }
0x19: {  	s7 =	sld [smem:$0x3F9E]  }
0x1a: {  	s8 =	sadd.s32 $0xFFFFE003, lr  }
0x1b: {  	s9 =	sadd.s32 $0xFFFFFEF7, lr;
	s5 =	simm.s32 $0xFFFFFFFF;
	p2 =	slt.u32 s8, $0xFFFFF086  }
0x1c: {  	p1 =	slt.u32 s9, $0xF7A;
	s5 =	simm.s32 @!p2 $0x0  }
0x1d: {  	s5 =	simm.s32 @p1 $0x1;
	p0 =	seq.s32 s7, s2  }
0x1e: {  	s7 =	smul.u32 @!p0 $0xF7A, s2;
	p2 =	seq.s32 @!p0 s5, $0x0  }
0x1f: {  	s9 =	smul.u32 $0xF7A, s1;
	s8 =	simm.s32 @!p0 $0x1BF5;
	p2 =	por !p2, p0  }
0x20: {  	[sflag:s8] =	ssyncset.s32 @!p0 $0xFFFFF086;
	s6 =	sadd.s32 @!p0 s3, s7;
	s7 =	simm.s32 @!p0 $0x108  }
0x21: {  	s3 =	sadd.s32 s3, s9;
	s6 =	sadd.s32 @!p0 $0x88, s6;
	s7 =	simm.s32 @p2 $0x1082  }
0x22: {  	[simem:s7], [sflag:s8] =	dma.local @!p0 [hbm:s6], $0xF7A  }
0x23: {  	s9 =	sor.u32 $0xD0000000, s2;
	s6 =	simm.s32 $0x108;
	_ =	swait.ge @!p0 [sflag:s8], $0x0  }
0x24: {  	s3 =	sadd.s32 $0x88, s3;
	s6 =	simm.s32 @!p1 $0x1082;
	[sflag:s4] =	ssyncset.s32 $0xFFFFF086  }
0x25: {  	[simem:s6], [sflag:s4] =	dma.local [hbm:s3], $0xF7A  }
0x26: {  	[smem:$0x3F9E] =	sst s1;
	(tag) =	ssettag s2;
	_ =	strace s9  }
0x27: {  	s1 =	sld [smem:$0x3FAE]  }
0x28: {  	s2 =	sld [smem:$0x3FAF]  }
0x29: {  	s4 =	sld [smem:$0x3FB1]  }
0x2a: {  	p0 =	seq.s32 s5, $0x0;
	s5 =	sld [smem:$0x3FB2]  }
0x2b: {  	s6 =	sld [smem:$0x3FB3]  }
0x2c: {  	s7 =	sld [smem:$0x3FB4]  }
0x2d: {  	s3 =	simm.s32 $0x108;
	s8 =	sld [smem:$0x3FB5]  }
0x2e: {  	s3 =	simm.s32 @!p0 $0x1082;
	s9 =	sld [smem:$0x3FB6]  }
0x2f: {  	lr =	sadd.s32 s0, s3;
	s0 =	sld [smem:$0x3FAD]  }
0x30: {  	s3 =	sld [smem:$0x3FB0]  }
0x31: {  	[smem:$0x3FB9] =	sst s10  }
0x32: {  	s10 =	sld [smem:$0x3FB7];
	_ =	sdelay $0x3  }
0x33: {  	p0 =	seq.s32 s10, $0x1;
	s10 =	sld [smem:$0x3FB9];
	_ =	sdelay $0x3  }
0x34: {  	[smem:$0x3FB9] =	sst s10  }
0x35: {  	s10 =	sld [smem:$0x3FB8];
	_ =	sdelay $0x3  }
0x36: {  	p1 =	seq.s32 s10, $0x1;
	s10 =	sld [smem:$0x3FB9];
	_ =	sdelay $0x3  }
0x37: {  	[smem:$0x3FB9] =	sst s10  }
0x38: {  	s10 =	sld [smem:$0x3FBA]  }
0x39: {  	_ = 	snop;
	(pc) =	sbr.ind lr, $3  }
0x3a: {  	_ = 	snop  }
0x3b: {  	_ = 	snop  }
0x3c: {  	p2 =	seq.s32 s10, $0x1;
	s10 =	sld [smem:$0x3FB9]  }
0x3d: {  	_ =	shalt  }
0x3e: {  	_ =	shalt  }
0x3f: {  	_ =	shalt  }
0x40: {  	_ =	shalt  }
0x41: {  	_ =	shalt  }
0x42: {  	_ =	shalt  }
0x43: {  	_ =	shalt  }
0x44: {  	_ =	shalt  }
0x45: {  	_ =	shalt  }
0x46: {  	_ =	shalt  }
0x47: {  	_ =	shalt  }
0x48: {  	_ =	shalt  }
0x49: {  	_ =	shalt  }
0x4a: {  	_ =	shalt  }
0x4b: {  	_ =	shalt  }
0x4c: {  	_ =	shalt  }
0x4d: {  	_ =	shalt  }
0x4e: {  	_ =	shalt  }
0x4f: {  	_ =	shalt  }
0x50: {  	_ =	shalt  }
0x51: {  	_ =	shalt  }
0x52: {  	_ =	shalt  }
0x53: {  	_ =	shalt  }
0x54: {  	_ =	shalt  }
0x55: {  	_ =	shalt  }
0x56: {  	_ =	shalt  }
0x57: {  	_ =	shalt  }
0x58: {  	_ =	shalt  }
0x59: {  	_ =	shalt  }
0x5a: {  	_ =	shalt  }
0x5b: {  	_ =	shalt  }
0x5c: {  	_ =	shalt  }
0x5d: {  	_ =	shalt  }
0x5e: {  	_ =	shalt  }
0x5f: {  	_ =	shalt  }
0x60: {  	_ =	shalt  }
0x61: {  	_ =	shalt  }
0x62: {  	_ =	shalt  }
0x63: {  	_ =	shalt  }
0x64: {  	_ =	shalt  }
0x65: {  	_ =	shalt  }
0x66: {  	_ =	shalt  }
0x67: {  	_ =	shalt  }
0x68: {  	_ =	shalt  }
0x69: {  	_ =	shalt  }
0x6a: {  	_ =	shalt  }
0x6b: {  	_ =	shalt  }
0x6c: {  	_ =	shalt  }
0x6d: {  	_ =	shalt  }
0x6e: {  	_ =	shalt  }
0x6f: {  	_ =	shalt  }
0x70: {  	_ =	shalt  }
0x71: {  	_ =	shalt  }
0x72: {  	_ =	shalt  }
0x73: {  	_ =	shalt  }
0x74: {  	_ =	shalt  }
0x75: {  	_ =	shalt  }
0x76: {  	_ =	shalt  }
0x77: {  	_ =	shalt  }
0x78: {  	_ =	shalt  }
0x79: {  	_ =	shalt  }
0x7a: {  	_ =	shalt  }
0x7b: {  	_ =	shalt  }
0x7c: {  	_ =	shalt  }
0x7d: {  	_ =	shalt  }
0x7e: {  	_ =	shalt  }
0x7f: {  	_ =	shalt  }
0x80: {  	_ =	shalt  }
0x81: {  	_ =	shalt  }
0x82: {  	_ =	shalt  }
0x83: {  	_ =	shalt  }
0x84: {  	_ =	shalt  }
0x85: {  	_ =	shalt  }
0x86: {  	_ =	shalt  }
0x87: {  	_ =	shalt  }
.Lfunc_end0:
.L_simem_size_0:
called_computation_lowered:
.L_overlay_start_0:
0x88: {  	s2 =	sld [smem:$0x3FD9]  }
0x89: {  	s3 =	sld [smem:$0x3FFE];
	_ =	sdelay $0x1  }
0x8a: {  	s1 =	srdreg.scid  }
0x8b: {  	s0 =	sand.u32 $0x1, s1  }
0x8c: {  	s14 =	sshll.u32 s0, $0xA;
	s2 =	sadd.s32 s3, s2  }
0x8d: {  	s2 =	sadd.s32 s2, s14  }
0x8e: {  	[smem:$0x3FC5] =	sst s2  }
0x8f: {  	_ = 	snop  }
0x90: {  	s2 =	sld [smem:$0x3FD0];
	_ =	sdelay $0x2  }
0x91: {  	s4 =	simm.s32 $0xA;
	s5 =	simm.s32 $0x10;
	s15 =	sld [smem:$0x3FC9]  }
0x92: {  	[smem:s5], [sflag:s4] =	dma.local [hbm:s2], $0x1  }
0x93: {  	_ =	swait.eq [sflag:s4], $0x1  }
0x94: {  	[sflag:s4] =	ssyncset.done $0x0  }
0x95: {  	s16 =	sld [smem:$0x10];
	[sflag:s4] =	ssyncadd.s32 $0xFFFFFFFF  }
0x96: {  	s17 =	sld [smem:$0x11];
	(tm) =	ssettm $0x1  }
0x97: {  	s18 =	sld [smem:$0x3FFB];
	_ =	sdelay $0x3  }
0x98: {  	_ =	strace s18  }
0x99: {  	s5 =	sld [smem:$0x3FFC];
	_ =	sdelay $0x3  }
0x9a: {  	_ =	strace s5  }
0x9b: {  	s5 =	sld [smem:$0x3FFD];
	_ =	sdelay $0x3  }
0x9c: {  	_ =	strace s5  }
0x9d: {  	_ =	strace $0x8FFFFFFF  }
0x9e: {  	s19 =	sld [smem:$0x3FDB];
	_ =	sdelay $0x1  }
0x9f: {  	s6 =	simm.s32 $_scs_section_size  }
0xa0: {  	s7 =	simm.s32 $_size__tile_overlayer_lowered;
	s8 =	simm.s32 $_tile_overlayer_lowered  }
0xa1: {  	s22 =	simm.s32 $0x1BFF;
	s21 =	sshll.u32 s8, $0x1;
	s5 =	sadd.s32 s6, s19  }
0xa2: {  	s9 =	simm.s32 $0x0;
	s20 =	sshll.u32 s7, $0x1;
	s7 =	sadd.s32 s21, s5  }
0xa3: {  	[timem:s9], [sflag:s22] =	dma.local [hbm:s7], s20  }
0xa4: {  	_ =	swait.ge [sflag:s22], s20  }
0xa5: {  	s6 =	ssub.s32 $0x0, s20;
	[sflag:s22] =	ssyncset.done $0x0  }
0xa6: {  	[sflag:s22] =	ssyncadd.s32 s6;
	_ =	sdelay $0x1  }
0xa7: {  	s23 =	simm.s32 $0x1B8B  }
0xa8: {  	_ =	swait.ge [sflag:s23], $0x1  }
0xa9: {  	[sflag:s23] =	ssyncset.done $0x0  }
0xaa: {  	s25 =	simm.s32 $0x1B8E;
	s24 =	sld [smem:$0x3FFE];
	[sflag:s23] =	ssyncadd.s32 $0xFFFFFFFF  }
0xab: {  	s26 =	simm.s32 $execute0_lowered;
	[smem:$0x3FD2] =	sst s25  }
0xac: {  	s7 =	sshll.u32 s26, $0x1;
	_ =	strace $0x80000046;
	[dreg:$0x1] =	wrdreg $0xFFFFFFFF  }
0xad: {  	s28 =	simm.s32 $_size_execute0_lowered;
	s5 =	sadd.s32 s5, s7;
	[dreg:$0x0] =	wrdreg $0x0  }
0xae: {  	s7 =	sshll.u32 s28, $0x1;
	[dreg:$0x2] =	wrdreg s5  }
0xaf: {  	[dreg:$0x3] =	wrdreg s7  }
0xb0: {  	[dreg:$0x4] =	wrdreg $0xC0  }
0xb1: {  	_ =	task [dreg:s9], $0x5FFFF  }
0xb2: {  	[dreg:$0x1] =	wrdreg $0xFFFFFFFF  }
0xb3: {  	[dreg:$0x0] =	wrdreg $0x60  }
0xb4: {  	[dreg:$0x2] =	wrdreg s15  }
0xb5: {  	[dreg:$0x3] =	wrdreg s24  }
0xb6: {  	[dreg:$0x4] =	wrdreg s16  }
0xb7: {  	[dreg:$0x5] =	wrdreg s17  }
0xb8: {  	[dreg:$0x6] =	wrdreg $0x9  }
0xb9: {  	_ =	task.clear_ibuf [dreg:s9], $0x7FFFF;
	_ =	strace $0x90000046  }
0xba: {  	s29 =	simm.s32 $0x9;
	_ =	strace $0x80000048  }
0xbb: {  	_ =	swait.ge [sflag:s29], $0x1  }
0xbc: {  	[sflag:s29] =	ssyncadd.s32 $0xFFFFFFFF  }
0xbd: {  	_ =	strace $0x90000048  }
0xbe: {  	_ =	sfence  }
0xbf: {  	s30 =	sld [smem:$0x0];
	_ =	sdelay $0x2  }
0xc0: {  	s31 =	sshll.u32 s1, $0xD;
	s1 =	sshrl.u32 s1, $0x2  }
0xc1: {  	s3 =	sand.u32 $0x4000, s31;
	s1 =	sadd.s32 s1, s30  }
0xc2: {  	s0 =	sor.u32 s3, s0;
	s1 =	sshll.u32 s1, $0x11  }
0xc3: {  	s0 =	sor.u32 s1, s0  }
0xc4: {  	s0 =	sadd.s32 $0x8F2B, s0  }
0xc5: {  	[sflag:s0] =	ssyncadd.remote.s32 $0x1  }
0xc6: {  	_ =	sfence.sel $0xFFFF  }
0xc7: {  	[dreg:$0x0] =	wrdreg $0xFFFFFFFF;
	(pc) =	sbr.abs _section_cstart, $3  }
0xc8: {  	[dreg:$0x1] =	wrdreg $0xFFFFFFFF  }
0xc9: {  	_ =	task.clear_ibuf [dreg:s9], $0x2FFFF;
	_ =	strace $0x9FFFFFFF  }
0xca: {  	(tm) =	ssettm $0x7FFFFFFF  }
0xcb: {  	_ =	shalt  }
tec
execute0_lowered:
.L_overlay_start_1:
0x0: {  	(tag) =	ssettag $0x1  }
0x1: {  	s15 =	rddreg [dreg:$0x0];
	s0 =	srdreg.scid  }
0x2: {  	s2 =	rddreg [dreg:$0x1];
	s3 =	stileid.u32;
	s0 =	sand.u32 $0x1, s0  }
0x3: {  	s4 =	rddreg [dreg:$0x2];
	s3 =	sshll.u32 s3, $0x7;
	s5 =	sshll.u32 s0, $0x6  }
0x4: {  	s6 =	rddreg [dreg:$0x3];
	s5 =	sor.u32 s5, s3;
	s3 =	simm.s32 $0x0  }
0x5: {  	s14 =	simm.s32 $0x8880;
	[smem:$0x7FF] =	sst s3  }
0x6: {  	s16 =	simm.s32 $0x9080;
	_ =	strace $0x80000047;
	[dreg:$0xe] =	wrdreg s14  }
0x7: {  	s17 =	simm.s32 $0x9880;
	[dreg:$0xf] =	wrdreg s16  }
0x8: {  	s18 =	simm.s32 $0xA080;
	s19 =	simm.s32 $0xA880;
	[dreg:$0x10] =	wrdreg s17  }
0x9: {  	s20 =	simm.s32 $0xB080;
	s21 =	simm.s32 $0xB880;
	[dreg:$0x11] =	wrdreg s18  }
0xa: {  	s31 =	simm.s32 $0x80;
	s7 =	sshrl.u32 s5, $0x3;
	[dreg:$0x12] =	wrdreg s19  }
0xb: {  	s22 =	sshll.u32 s5, $0x8;
	s5 =	sshll.u32 s5, $0x4;
	[dreg:$0x13] =	wrdreg s20  }
0xc: {  	s28 =	simm.s32 $0x2080;
	s5 =	sadd.s32 s6, s5;
	[dreg:$0x14] =	wrdreg s21  }
0xd: {  	s29 =	simm.s32 $0x2880;
	s14 =	simm.s32 $0x13080;
	[dreg:$0x7] =	wrdreg s5  }
0xe: {  	s30 =	simm.s32 $0x3080;
	s16 =	simm.s32 $0x13880;
	[smem:$0x7F2] =	sst s14  }
0xf: {  	s0 =	ssub.s32 $0x2, s0;
	s17 =	simm.s32 $0x14080;
	[smem:$0x7F3] =	sst s16  }
0x10: {  	s8 =	sadd.s32 s7, s2;
	s18 =	simm.s32 $0x14880;
	[smem:$0x7F4] =	sst s17  }
0x11: {  	s9 =	sor.u32 $0x2, s7;
	s19 =	simm.s32 $0x15080;
	[smem:$0x7F5] =	sst s18  }
0x12: {  	s1 =	sor.u32 $0x4, s7;
	s20 =	simm.s32 $0x15880;
	[smem:$0x7F6] =	sst s19  }
0x13: {  	s7 =	sor.u32 $0x6, s7;
	s21 =	simm.s32 $0x16080;
	[smem:$0x7F7] =	sst s20  }
0x14: {  	s8 =	sadd.s32 $0x21200, s8;
	s11 =	sshll.u32 s7, $0xB;
	[smem:$0x7F8] =	sst s21  }
0x15: {  	s12 =	sshll.u32 s7, $0x7;
	s7 =	simm.s32 $0xF080;
	[dreg:$0x5] =	wrdreg s8  }
0x16: {  	s23 =	sshll.u32 s9, $0xB;
	s8 =	sadd.s32 s4, s22;
	[dreg:$0x1b] =	wrdreg s7  }
0x17: {  	s25 =	sshll.u32 s9, $0x7;
	s24 =	sadd.s32 s4, s23;
	[dreg:$0x6] =	wrdreg s8  }
0x18: {  	s9 =	sshll.u32 s1, $0xB;
	s26 =	sadd.s32 s6, s25;
	[dreg:$0x8] =	wrdreg s24  }
0x19: {  	s18 =	simm.s32 $0x1;
	s5 =	sadd.s32 s4, s9;
	[dreg:$0x9] =	wrdreg s26  }
0x1a: {  	s19 =	simm.s32 $0x2;
	s4 =	sadd.s32 s4, s11;
	[dreg:$0xa] =	wrdreg s5  }
0x1b: {  	s20 =	simm.s32 $0x3;
	s13 =	sadd.s32 s6, s12;
	[dreg:$0xc] =	wrdreg s4  }
0x1c: {  	s21 =	simm.s32 $0x4;
	s22 =	simm.s32 $0xC080;
	[dreg:$0xd] =	wrdreg s13  }
0x1d: {  	s17 =	simm.s32 $0x5080;
	s23 =	simm.s32 $0xC880;
	[dreg:$0x15] =	wrdreg s22  }
0x1e: {  	s14 =	simm.s32 $0x19080;
	s25 =	simm.s32 $0xD880;
	[dreg:$0x16] =	wrdreg s23  }
0x1f: {  	s9 =	simm.s32 $0x10880;
	s7 =	sadd.s32 $0x300, s15;
	[dreg:$0x18] =	wrdreg s25  }
0x20: {  	s11 =	simm.s32 $0x11880;
	s12 =	simm.s32 $0x12080;
	[dreg:$0x1d] =	wrdreg s9  }
0x21: {  	s8 =	sshll.u32 s1, $0x7;
	s24 =	simm.s32 $0xD080;
	[dreg:$0x1f] =	wrdreg s11  }
0x22: {  	s4 =	sadd.s32 $0x1200, s2;
	s26 =	simm.s32 $0xE080;
	[smem:$0x7F0] =	sst s12  }
0x23: {  	s1 =	sshrl.u32 s0, $0x1;
	s5 =	sadd.s32 $0x100, s15;
	[dreg:$0x17] =	wrdreg s24  }
0x24: {  	s9 =	sadd.s32 $0x500, s15;
	s13 =	simm.s32 $0x12880;
	[dreg:$0x19] =	wrdreg s26  }
0x25: {  	s11 =	sadd.s32 $0x700, s15;
	s22 =	simm.s32 $0x16880;
	[smem:$0x7F1] =	sst s13  }
0x26: {  	s23 =	simm.s32 $0x17080;
	s25 =	simm.s32 $0x20;
	[smem:$0x7F9] =	sst s22  }
0x27: {  	s10 =	sadd.s32 s6, s8;
	s6 =	simm.s32 $0xE880;
	[smem:$0x7FA] =	sst s23  }
0x28: {  	s0 =	ssub.s32 s0, s1;
	s8 =	simm.s32 $0xF880;
	[smem:$0x7FC] =	sst s25  }
0x29: {  	s24 =	simm.s32 $0x17880;
	s26 =	simm.s32 $0x30;
	[dreg:$0xb] =	wrdreg s10  }
0x2a: {  	s25 =	simm.s32 $0x1080;
	s1 =	simm.s32 $0x18080;
	[dreg:$0x1a] =	wrdreg s6  }
0x2b: {  	s13 =	simm.s32 $0x10080;
	s6 =	sadd.s32 $0x200, s15;
	[dreg:$0x1c] =	wrdreg s8  }
0x2c: {  	v2 =	vlaneseq.u32;
	s10 =	simm.s32 $0x11080;
	s8 =	sadd.s32 $0x400, s15;
	[smem:$0x7FB] =	sst s24  }
0x2d: {  	vm0 =	vmmov $0xffff;
	v1 =	vshrl.u32 v2, $0x3;
	s12 =	smax.u32 s0, $0x1;
	[smem:$0x7FD] =	sst s26;
	s24 =	simm.s32 $0x880  }
0x2e: {  	v0 =	vand.u32 $0x7, v2;
	v2 =	vor.u32 $0x8, v2;
	v1 =	vmul.u32 $0x8, v1;
	s26 =	simm.s32 $0x1880;
	[dreg:$0x1e] =	wrdreg s10;
	s10 =	sadd.s32 $0x600, s15  }
.LBB2_1:
0x2f: {  	s22 =	rddreg [dreg:$0x5];
	s0 =	simm.s32 $0x5  }
0x30: {  	[tilespmem:s3], [sflag:$0x5] =	stream.linear.gather [hbm4b:s22+s3], $0x40, $0x38;
	[tilespmem:$0x19880] =	vst v63  }
0x31: {  	_ =	swait.ge [sflag:s0], $0x40  }
0x32: {  	[sflag:s0] =	ssyncset.done $0x0  }
0x33: {  	[sflag:s0] =	ssyncadd.s32 $0xFFFFFFC0  }
0x34: {  	v3 =	vld [tilespmem:$0x0];
	_ =	sdelay $0x4  }
0x35: {  	v4 =	vshll.u32 v3, $0x4  }
0x36: {  	v3 =	vand.u32 $0x7, v3;
	v4 =	vand.u32 $0xFFFFFF80, v4  }
0x37: {  	v3 =	vor.u32 v3, v4  }
0x38: {  	v4 =	vperm.xlane v3, v0;
	_ =	sdelay $0x1  }
0x39: {  	v4 =	vadd.s32 v1, v4;
	_ =	sdelay $0x4  }
0x3a: {  	[tilespmem:s31], [sflag:$0x1] =	stream.indirect_vreg.gather [hbm4b:s15+s3], $0x80, v4, vm0, $0xb8;
	[tilespmem:$0x19880] =	vst v63  }
0x3b: {  	_ = 	snop  }
0x3c: {  	[tilespmem:s24], [sflag:$0x1] =	stream.indirect_vreg.gather [hbm4b:s5+s3], $0x80, v4, vm0, $0xb8;
	[tilespmem:$0x19880] =	vst v63  }
0x3d: {  	_ = 	snop  }
0x3e: {  	[tilespmem:s25], [sflag:$0x1] =	stream.indirect_vreg.gather [hbm4b:s6+s3], $0x80, v4, vm0, $0xb8;
	[tilespmem:$0x19880] =	vst v63  }
0x3f: {  	_ = 	snop  }
0x40: {  	[tilespmem:s26], [sflag:$0x1] =	stream.indirect_vreg.gather [hbm4b:s7+s3], $0x80, v4, vm0, $0xb8;
	[tilespmem:$0x19880] =	vst v63  }
0x41: {  	_ = 	snop  }
0x42: {  	[tilespmem:s28], [sflag:$0x1] =	stream.indirect_vreg.gather [hbm4b:s8+s3], $0x80, v4, vm0, $0xb8;
	[tilespmem:$0x19880] =	vst v63  }
0x43: {  	v3 =	vperm.xlane v3, v2  }
0x44: {  	[tilespmem:s29], [sflag:$0x1] =	stream.indirect_vreg.gather [hbm4b:s9+s3], $0x80, v4, vm0, $0xb8;
	[tilespmem:$0x19880] =	vst v63  }
0x45: {  	v3 =	vadd.s32 v1, v3  }
0x46: {  	[tilespmem:s30], [sflag:$0x1] =	stream.indirect_vreg.gather [hbm4b:s10+s3], $0x80, v4, vm0, $0xb8;
	[tilespmem:$0x19880] =	vst v63  }
0x47: {  	s2 =	simm.s32 $0x3880  }
0x48: {  	[tilespmem:s2], [sflag:$0x1] =	stream.indirect_vreg.gather [hbm4b:s11+s3], $0x80, v4, vm0, $0xb8;
	[tilespmem:$0x19880] =	vst v63  }
0x49: {  	s16 =	simm.s32 $0x4080  }
0x4a: {  	[tilespmem:s16], [sflag:$0x1] =	stream.indirect_vreg.gather [hbm4b:s15+s3], $0x80, v3, vm0, $0xb8;
	[tilespmem:$0x19880] =	vst v63  }
0x4b: {  	s16 =	simm.s32 $0x4880  }
0x4c: {  	[tilespmem:s16], [sflag:$0x1] =	stream.indirect_vreg.gather [hbm4b:s5+s3], $0x80, v3, vm0, $0xb8;
	[tilespmem:$0x19880] =	vst v63  }
0x4d: {  	_ = 	snop  }
0x4e: {  	[tilespmem:s17], [sflag:$0x1] =	stream.indirect_vreg.gather [hbm4b:s6+s3], $0x80, v3, vm0, $0xb8;
	[tilespmem:$0x19880] =	vst v63  }
0x4f: {  	s22 =	simm.s32 $0x5880  }
0x50: {  	[tilespmem:s22], [sflag:$0x1] =	stream.indirect_vreg.gather [hbm4b:s7+s3], $0x80, v3, vm0, $0xb8;
	[tilespmem:$0x19880] =	vst v63  }
0x51: {  	s23 =	simm.s32 $0x6080  }
0x52: {  	[tilespmem:s23], [sflag:$0x1] =	stream.indirect_vreg.gather [hbm4b:s8+s3], $0x80, v3, vm0, $0xb8;
	[tilespmem:$0x19880] =	vst v63  }
0x53: {  	s2 =	simm.s32 $0x6880  }
0x54: {  	[tilespmem:s2], [sflag:$0x1] =	stream.indirect_vreg.gather [hbm4b:s9+s3], $0x80, v3, vm0, $0xb8;
	[tilespmem:$0x19880] =	vst v63  }
0x55: {  	s22 =	simm.s32 $0x7080  }
0x56: {  	[tilespmem:s22], [sflag:$0x1] =	stream.indirect_vreg.gather [hbm4b:s10+s3], $0x80, v3, vm0, $0xb8;
	[tilespmem:$0x19880] =	vst v63  }
0x57: {  	s23 =	simm.s32 $0x7880  }
0x58: {  	[tilespmem:s23], [sflag:$0x1] =	stream.indirect_vreg.gather [hbm4b:s11+s3], $0x80, v3, vm0, $0xb8;
	[tilespmem:$0x19880] =	vst v63  }
0x59: {  	s0 =	simm.s32 $0x10  }
0x5a: {  	[tilespmem:s1], [sflag:$0x2] =	stream.indirect.gather [hbm4b:s4+s0], $0x80, s3, s0, $0xb8;
	[tilespmem:$0x19880] =	vst v63  }
0x5b: {  	v3 =	vld [tilespmem:$0x10];
	_ =	sdelay $0x4  }
0x5c: {  	v61 =	vshll.u32 v3, $0x4  }
0x5d: {  	v3 =	vand.u32 $0x7, v3;
	v4 =	vand.u32 $0xFFFFFF80, v61  }
0x5e: {  	v3 =	vor.u32 v3, v4  }
0x5f: {  	v4 =	vperm.xlane v3, v0;
	_ =	sdelay $0x1  }
0x60: {  	v4 =	vadd.s32 v1, v4;
	_ =	sdelay $0x3  }
0x61: {  	s2 =	simm.s32 $0x8080  }
0x62: {  	[tilespmem:s2], [sflag:$0x1] =	stream.indirect_vreg.gather [hbm4b:s15+s3], $0x80, v4, vm0, $0xb8;
	[tilespmem:$0x19880] =	vst v63  }
0x63: {  	s22 =	rddreg [dreg:$0xe]  }
0x64: {  	[tilespmem:s22], [sflag:$0x1] =	stream.indirect_vreg.gather [hbm4b:s5+s3], $0x80, v4, vm0, $0xb8;
	[tilespmem:$0x19880] =	vst v63  }
0x65: {  	s23 =	rddreg [dreg:$0xf]  }
0x66: {  	[tilespmem:s23], [sflag:$0x1] =	stream.indirect_vreg.gather [hbm4b:s6+s3], $0x80, v4, vm0, $0xb8;
	[tilespmem:$0x19880] =	vst v63  }
0x67: {  	s2 =	rddreg [dreg:$0x10]  }
0x68: {  	[tilespmem:s2], [sflag:$0x1] =	stream.indirect_vreg.gather [hbm4b:s7+s3], $0x80, v4, vm0, $0xb8;
	[tilespmem:$0x19880] =	vst v63  }
0x69: {  	s23 =	rddreg [dreg:$0x11]  }
0x6a: {  	[tilespmem:s23], [sflag:$0x1] =	stream.indirect_vreg.gather [hbm4b:s8+s3], $0x80, v4, vm0, $0xb8;
	[tilespmem:$0x19880] =	vst v63  }
0x6b: {  	v3 =	vperm.xlane v3, v2;
	s2 =	rddreg [dreg:$0x12]  }
0x6c: {  	[tilespmem:s2], [sflag:$0x1] =	stream.indirect_vreg.gather [hbm4b:s9+s3], $0x80, v4, vm0, $0xb8;
	[tilespmem:$0x19880] =	vst v63  }
0x6d: {  	v3 =	vadd.s32 v1, v3;
	s23 =	rddreg [dreg:$0x13]  }
0x6e: {  	[tilespmem:s23], [sflag:$0x1] =	stream.indirect_vreg.gather [hbm4b:s10+s3], $0x80, v4, vm0, $0xb8;
	[tilespmem:$0x19880] =	vst v63  }
0x6f: {  	s2 =	rddreg [dreg:$0x14]  }
0x70: {  	[tilespmem:s2], [sflag:$0x1] =	stream.indirect_vreg.gather [hbm4b:s11+s3], $0x80, v4, vm0, $0xb8;
	[tilespmem:$0x19880] =	vst v63  }
0x71: {  	s23 =	rddreg [dreg:$0x15]  }
0x72: {  	[tilespmem:s23], [sflag:$0x1] =	stream.indirect_vreg.gather [hbm4b:s15+s3], $0x80, v3, vm0, $0xb8;
	[tilespmem:$0x19880] =	vst v63  }
0x73: {  	s2 =	rddreg [dreg:$0x16]  }
0x74: {  	[tilespmem:s2], [sflag:$0x1] =	stream.indirect_vreg.gather [hbm4b:s5+s3], $0x80, v3, vm0, $0xb8;
	[tilespmem:$0x19880] =	vst v63  }
0x75: {  	s23 =	rddreg [dreg:$0x17]  }
0x76: {  	[tilespmem:s23], [sflag:$0x1] =	stream.indirect_vreg.gather [hbm4b:s6+s3], $0x80, v3, vm0, $0xb8;
	[tilespmem:$0x19880] =	vst v63  }
0x77: {  	s2 =	rddreg [dreg:$0x18]  }
0x78: {  	[tilespmem:s2], [sflag:$0x1] =	stream.indirect_vreg.gather [hbm4b:s7+s3], $0x80, v3, vm0, $0xb8;
	[tilespmem:$0x19880] =	vst v63  }
0x79: {  	s23 =	rddreg [dreg:$0x19]  }
0x7a: {  	[tilespmem:s23], [sflag:$0x1] =	stream.indirect_vreg.gather [hbm4b:s8+s3], $0x80, v3, vm0, $0xb8;
	[tilespmem:$0x19880] =	vst v63  }
0x7b: {  	s2 =	rddreg [dreg:$0x1a]  }
0x7c: {  	[tilespmem:s2], [sflag:$0x1] =	stream.indirect_vreg.gather [hbm4b:s9+s3], $0x80, v3, vm0, $0xb8;
	[tilespmem:$0x19880] =	vst v63  }
0x7d: {  	s23 =	rddreg [dreg:$0x1b]  }
0x7e: {  	[tilespmem:s23], [sflag:$0x1] =	stream.indirect_vreg.gather [hbm4b:s10+s3], $0x80, v3, vm0, $0xb8;
	[tilespmem:$0x19880] =	vst v63  }
0x7f: {  	s2 =	rddreg [dreg:$0x1c]  }
0x80: {  	[tilespmem:s2], [sflag:$0x1] =	stream.indirect_vreg.gather [hbm4b:s11+s3], $0x80, v3, vm0, $0xb8;
	[tilespmem:$0x19880] =	vst v63  }
0x81: {  	s2 =	simm.s32 $0x18880  }
0x82: {  	[tilespmem:s2], [sflag:$0x2] =	stream.indirect.gather [hbm4b:s4+s0], $0x80, s0, s0, $0xb8;
	[tilespmem:$0x19880] =	vst v63  }
0x83: {  	v3 =	vld [tilespmem:$0x20];
	_ =	sdelay $0x4  }
0x84: {  	v62 =	vshll.u32 v3, $0x4  }
0x85: {  	v3 =	vand.u32 $0x7, v3;
	v4 =	vand.u32 $0xFFFFFF80, v62  }
0x86: {  	v3 =	vor.u32 v3, v4  }
0x87: {  	v4 =	vperm.xlane v3, v0;
	_ =	sdelay $0x1  }
0x88: {  	v4 =	vadd.s32 v1, v4;
	_ =	sdelay $0x3  }
0x89: {  	s22 =	rddreg [dreg:$0x1d]  }
0x8a: {  	[tilespmem:s13], [sflag:$0x1] =	stream.indirect_vreg.gather [hbm4b:s15+s3], $0x80, v4, vm0, $0xb8;
	[tilespmem:$0x19880] =	vst v63  }
0x8b: {  	s23 =	rddreg [dreg:$0x1e]  }
0x8c: {  	[tilespmem:s22], [sflag:$0x1] =	stream.indirect_vreg.gather [hbm4b:s5+s3], $0x80, v4, vm0, $0xb8;
	[tilespmem:$0x19880] =	vst v63  }
0x8d: {  	s22 =	rddreg [dreg:$0x1f]  }
0x8e: {  	[tilespmem:s23], [sflag:$0x1] =	stream.indirect_vreg.gather [hbm4b:s6+s3], $0x80, v4, vm0, $0xb8;
	[tilespmem:$0x19880] =	vst v63  }
0x8f: {  	s23 =	sld [smem:$0x7F0]  }
0x90: {  	[tilespmem:s22], [sflag:$0x1] =	stream.indirect_vreg.gather [hbm4b:s7+s3], $0x80, v4, vm0, $0xb8;
	[tilespmem:$0x19880] =	vst v63  }
0x91: {  	s22 =	sld [smem:$0x7F1]  }
0x92: {  	[tilespmem:s23], [sflag:$0x1] =	stream.indirect_vreg.gather [hbm4b:s8+s3], $0x80, v4, vm0, $0xb8;
	[tilespmem:$0x19880] =	vst v63  }
0x93: {  	v3 =	vperm.xlane v3, v2;
	s23 =	sld [smem:$0x7F2]  }
0x94: {  	[tilespmem:s22], [sflag:$0x1] =	stream.indirect_vreg.gather [hbm4b:s9+s3], $0x80, v4, vm0, $0xb8;
	[tilespmem:$0x19880] =	vst v63  }
0x95: {  	v3 =	vadd.s32 v1, v3;
	s22 =	sld [smem:$0x7F3]  }
0x96: {  	[tilespmem:s23], [sflag:$0x1] =	stream.indirect_vreg.gather [hbm4b:s10+s3], $0x80, v4, vm0, $0xb8;
	[tilespmem:$0x19880] =	vst v63  }
0x97: {  	s23 =	sld [smem:$0x7F4]  }
0x98: {  	[tilespmem:s22], [sflag:$0x1] =	stream.indirect_vreg.gather [hbm4b:s11+s3], $0x80, v4, vm0, $0xb8;
	[tilespmem:$0x19880] =	vst v63  }
0x99: {  	s22 =	sld [smem:$0x7F5]  }
0x9a: {  	[tilespmem:s23], [sflag:$0x1] =	stream.indirect_vreg.gather [hbm4b:s15+s3], $0x80, v3, vm0, $0xb8;
	[tilespmem:$0x19880] =	vst v63  }
0x9b: {  	s23 =	sld [smem:$0x7F6]  }
0x9c: {  	[tilespmem:s22], [sflag:$0x1] =	stream.indirect_vreg.gather [hbm4b:s5+s3], $0x80, v3, vm0, $0xb8;
	[tilespmem:$0x19880] =	vst v63  }
0x9d: {  	s22 =	sld [smem:$0x7F7]  }
0x9e: {  	[tilespmem:s23], [sflag:$0x1] =	stream.indirect_vreg.gather [hbm4b:s6+s3], $0x80, v3, vm0, $0xb8;
	[tilespmem:$0x19880] =	vst v63  }
0x9f: {  	s23 =	sld [smem:$0x7F8]  }
0xa0: {  	[tilespmem:s22], [sflag:$0x1] =	stream.indirect_vreg.gather [hbm4b:s7+s3], $0x80, v3, vm0, $0xb8;
	[tilespmem:$0x19880] =	vst v63  }
0xa1: {  	s22 =	sld [smem:$0x7F9]  }
0xa2: {  	[tilespmem:s23], [sflag:$0x1] =	stream.indirect_vreg.gather [hbm4b:s8+s3], $0x80, v3, vm0, $0xb8;
	[tilespmem:$0x19880] =	vst v63  }
0xa3: {  	s23 =	sld [smem:$0x7FA]  }
0xa4: {  	[tilespmem:s22], [sflag:$0x1] =	stream.indirect_vreg.gather [hbm4b:s9+s3], $0x80, v3, vm0, $0xb8;
	[tilespmem:$0x19880] =	vst v63  }
0xa5: {  	s22 =	sld [smem:$0x7FB]  }
0xa6: {  	[tilespmem:s23], [sflag:$0x1] =	stream.indirect_vreg.gather [hbm4b:s10+s3], $0x80, v3, vm0, $0xb8;
	[tilespmem:$0x19880] =	vst v63  }
0xa7: {  	s23 =	sld [smem:$0x7FC]  }
0xa8: {  	[tilespmem:s22], [sflag:$0x1] =	stream.indirect_vreg.gather [hbm4b:s11+s3], $0x80, v3, vm0, $0xb8;
	[tilespmem:$0x19880] =	vst v63  }
0xa9: {  	_ = 	snop  }
0xaa: {  	[tilespmem:s14], [sflag:$0x2] =	stream.indirect.gather [hbm4b:s4+s0], $0x80, s23, s0, $0xb8;
	[tilespmem:$0x19880] =	vst v63  }
0xab: {  	_ =	swait.ge [sflag:s18], $0x8000  }
0xac: {  	[sflag:s18] =	ssyncset.done $0x0  }
0xad: {  	[sflag:s18] =	ssyncadd.s32 $0xFFFF8000  }
0xae: {  	_ =	swait.ge [sflag:s19], $0x800  }
0xaf: {  	[sflag:s19] =	ssyncset.done $0x0  }
0xb0: {  	s22 =	rddreg [dreg:$0x6];
	[sflag:s19] =	ssyncadd.s32 $0xFFFFF800  }
0xb1: {  	[hbm4b:s22+s3] =	stream.linear.scatter [tilespmem:s31], [sflag:$0x3], $0x8000, $0x38;
	[tilespmem:$0x19880] =	vst v63  }
0xb2: {  	s23 =	rddreg [dreg:$0x7]  }
0xb3: {  	[hbm4b:s23+s3] =	stream.linear.scatter [tilespmem:s1], [sflag:$0x4], $0x800, $0x38;
	[tilespmem:$0x19880] =	vst v63  }
0xb4: {  	_ =	swait.ge [sflag:s20], $0x8000  }
0xb5: {  	[sflag:s20] =	ssyncset.done $0x0  }
0xb6: {  	[sflag:s20] =	ssyncadd.s32 $0xFFFF8000  }
0xb7: {  	_ =	swait.ge [sflag:s21], $0x800  }
0xb8: {  	[sflag:s21] =	ssyncset.done $0x0  }
0xb9: {  	[sflag:s21] =	ssyncadd.s32 $0xFFFFF800  }
0xba: {  	v3 =	vld [tilespmem:$0x30];
	_ =	sdelay $0x4  }
0xbb: {  	v63 =	vshll.u32 v3, $0x4  }
0xbc: {  	v3 =	vand.u32 $0x7, v3;
	v4 =	vand.u32 $0xFFFFFF80, v63  }
0xbd: {  	v3 =	vor.u32 v3, v4  }
0xbe: {  	v4 =	vperm.xlane v3, v0;
	_ =	sdelay $0x1  }
0xbf: {  	v4 =	vadd.s32 v1, v4;
	_ =	sdelay $0x4  }
0xc0: {  	[tilespmem:s31], [sflag:$0x1] =	stream.indirect_vreg.gather [hbm4b:s15+s3], $0x80, v4, vm0, $0xb8;
	[tilespmem:$0x19880] =	vst v63  }
0xc1: {  	_ = 	snop  }
0xc2: {  	[tilespmem:s24], [sflag:$0x1] =	stream.indirect_vreg.gather [hbm4b:s5+s3], $0x80, v4, vm0, $0xb8;
	[tilespmem:$0x19880] =	vst v63  }
0xc3: {  	_ = 	snop  }
0xc4: {  	[tilespmem:s25], [sflag:$0x1] =	stream.indirect_vreg.gather [hbm4b:s6+s3], $0x80, v4, vm0, $0xb8;
	[tilespmem:$0x19880] =	vst v63  }
0xc5: {  	_ = 	snop  }
0xc6: {  	[tilespmem:s26], [sflag:$0x1] =	stream.indirect_vreg.gather [hbm4b:s7+s3], $0x80, v4, vm0, $0xb8;
	[tilespmem:$0x19880] =	vst v63  }
0xc7: {  	_ = 	snop  }
0xc8: {  	[tilespmem:s28], [sflag:$0x1] =	stream.indirect_vreg.gather [hbm4b:s8+s3], $0x80, v4, vm0, $0xb8;
	[tilespmem:$0x19880] =	vst v63  }
0xc9: {  	v3 =	vperm.xlane v3, v2  }
0xca: {  	[tilespmem:s29], [sflag:$0x1] =	stream.indirect_vreg.gather [hbm4b:s9+s3], $0x80, v4, vm0, $0xb8;
	[tilespmem:$0x19880] =	vst v63  }
0xcb: {  	v3 =	vadd.s32 v1, v3  }
0xcc: {  	[tilespmem:s30], [sflag:$0x1] =	stream.indirect_vreg.gather [hbm4b:s10+s3], $0x80, v4, vm0, $0xb8;
	[tilespmem:$0x19880] =	vst v63  }
0xcd: {  	s23 =	simm.s32 $0x3880  }
0xce: {  	[tilespmem:s23], [sflag:$0x1] =	stream.indirect_vreg.gather [hbm4b:s11+s3], $0x80, v4, vm0, $0xb8;
	[tilespmem:$0x19880] =	vst v63  }
0xcf: {  	s23 =	simm.s32 $0x4080  }
0xd0: {  	[tilespmem:s23], [sflag:$0x1] =	stream.indirect_vreg.gather [hbm4b:s15+s3], $0x80, v3, vm0, $0xb8;
	[tilespmem:$0x19880] =	vst v63  }
0xd1: {  	_ = 	snop  }
0xd2: {  	[tilespmem:s16], [sflag:$0x1] =	stream.indirect_vreg.gather [hbm4b:s5+s3], $0x80, v3, vm0, $0xb8;
	[tilespmem:$0x19880] =	vst v63  }
0xd3: {  	_ = 	snop  }
0xd4: {  	[tilespmem:s17], [sflag:$0x1] =	stream.indirect_vreg.gather [hbm4b:s6+s3], $0x80, v3, vm0, $0xb8;
	[tilespmem:$0x19880] =	vst v63  }
0xd5: {  	s23 =	simm.s32 $0x5880  }
0xd6: {  	[tilespmem:s23], [sflag:$0x1] =	stream.indirect_vreg.gather [hbm4b:s7+s3], $0x80, v3, vm0, $0xb8;
	[tilespmem:$0x19880] =	vst v63  }
0xd7: {  	s22 =	simm.s32 $0x6080  }
0xd8: {  	[tilespmem:s22], [sflag:$0x1] =	stream.indirect_vreg.gather [hbm4b:s8+s3], $0x80, v3, vm0, $0xb8;
	[tilespmem:$0x19880] =	vst v63  }
0xd9: {  	s23 =	simm.s32 $0x6880  }
0xda: {  	[tilespmem:s23], [sflag:$0x1] =	stream.indirect_vreg.gather [hbm4b:s9+s3], $0x80, v3, vm0, $0xb8;
	[tilespmem:$0x19880] =	vst v63  }
0xdb: {  	s22 =	simm.s32 $0x7080  }
0xdc: {  	[tilespmem:s22], [sflag:$0x1] =	stream.indirect_vreg.gather [hbm4b:s10+s3], $0x80, v3, vm0, $0xb8;
	[tilespmem:$0x19880] =	vst v63  }
0xdd: {  	s23 =	simm.s32 $0x7880;
	s22 =	sld [smem:$0x7FD]  }
0xde: {  	[tilespmem:s23], [sflag:$0x1] =	stream.indirect_vreg.gather [hbm4b:s11+s3], $0x80, v3, vm0, $0xb8;
	[tilespmem:$0x19880] =	vst v63  }
0xdf: {  	_ = 	snop  }
0xe0: {  	[tilespmem:s1], [sflag:$0x2] =	stream.indirect.gather [hbm4b:s4+s0], $0x80, s22, s0, $0xb8;
	[tilespmem:$0x19880] =	vst v63  }
0xe1: {  	_ =	swait.ge [sflag:s18], $0x8000  }
0xe2: {  	[sflag:s18] =	ssyncset.done $0x0  }
0xe3: {  	[sflag:s18] =	ssyncadd.s32 $0xFFFF8000  }
0xe4: {  	_ =	swait.ge [sflag:s19], $0x800  }
0xe5: {  	[sflag:s19] =	ssyncset.done $0x0  }
0xe6: {  	s16 =	simm.s32 $0x8080;
	s0 =	rddreg [dreg:$0x8];
	[sflag:s19] =	ssyncadd.s32 $0xFFFFF800  }
0xe7: {  	[hbm4b:s0+s3] =	stream.linear.scatter [tilespmem:s16], [sflag:$0x3], $0x8000, $0x38;
	[tilespmem:$0x19880] =	vst v63  }
0xe8: {  	s23 =	rddreg [dreg:$0x9]  }
0xe9: {  	[hbm4b:s23+s3] =	stream.linear.scatter [tilespmem:s2], [sflag:$0x4], $0x800, $0x38;
	[tilespmem:$0x19880] =	vst v63  }
0xea: {  	_ =	swait.ge [sflag:s18], $0x8000  }
0xeb: {  	[sflag:s18] =	ssyncset.done $0x0  }
0xec: {  	[sflag:s18] =	ssyncadd.s32 $0xFFFF8000  }
0xed: {  	_ =	swait.ge [sflag:s19], $0x800  }
0xee: {  	[sflag:s19] =	ssyncset.done $0x0  }
0xef: {  	s23 =	rddreg [dreg:$0xa];
	[sflag:s19] =	ssyncadd.s32 $0xFFFFF800  }
0xf0: {  	[hbm4b:s23+s3] =	stream.linear.scatter [tilespmem:s13], [sflag:$0x3], $0x8000, $0x38;
	[tilespmem:$0x19880] =	vst v63  }
0xf1: {  	s0 =	rddreg [dreg:$0xb]  }
0xf2: {  	[hbm4b:s0+s3] =	stream.linear.scatter [tilespmem:s14], [sflag:$0x4], $0x800, $0x38;
	[tilespmem:$0x19880] =	vst v63  }
0xf3: {  	_ =	swait.ge [sflag:s18], $0x8000  }
0xf4: {  	[sflag:s18] =	ssyncset.done $0x0  }
0xf5: {  	[sflag:s18] =	ssyncadd.s32 $0xFFFF8000  }
0xf6: {  	_ =	swait.ge [sflag:s19], $0x800  }
0xf7: {  	[sflag:s19] =	ssyncset.done $0x0  }
0xf8: {  	s2 =	rddreg [dreg:$0xc];
	[sflag:s19] =	ssyncadd.s32 $0xFFFFF800  }
0xf9: {  	[hbm4b:s2+s3] =	stream.linear.scatter [tilespmem:s31], [sflag:$0x3], $0x8000, $0x38;
	[tilespmem:$0x19880] =	vst v63  }
0xfa: {  	s16 =	rddreg [dreg:$0xd]  }
0xfb: {  	[hbm4b:s16+s3] =	stream.linear.scatter [tilespmem:s1], [sflag:$0x4], $0x800, $0x38;
	[tilespmem:$0x19880] =	vst v63  }
0xfc: {  	_ =	swait.ge [sflag:s20], $0x8000  }
0xfd: {  	[sflag:s20] =	ssyncset.done $0x0  }
0xfe: {  	[sflag:s20] =	ssyncadd.s32 $0xFFFF8000  }
0xff: {  	_ =	swait.ge [sflag:s21], $0x800  }
0x100: {  	[sflag:s21] =	ssyncset.done $0x0  }
0x101: {  	[sflag:s21] =	ssyncadd.s32 $0xFFFFF800  }
0x102: {  	_ =	swait.ge [sflag:s20], $0x8000  }
0x103: {  	[sflag:s20] =	ssyncset.done $0x0  }
0x104: {  	[sflag:s20] =	ssyncadd.s32 $0xFFFF8000  }
0x105: {  	_ =	swait.ge [sflag:s21], $0x800  }
0x106: {  	[sflag:s21] =	ssyncset.done $0x0  }
0x107: {  	[sflag:s21] =	ssyncadd.s32 $0xFFFFF800  }
0x108: {  	p0 =	sne.s32 s12, $0x1;
	_ =	swait.ge [sflag:s20], $0x8000  }
.Ltmp0:
0x109: {  	[sflag:s20] =	ssyncset.done $0x0;
	(pc) =	sbr.rel @p0 .LBB2_1-.Ltmp0, $4  }
0x10a: {  	[sflag:s20] =	ssyncadd.s32 $0xFFFF8000  }
0x10b: {  	_ =	swait.ge [sflag:s21], $0x800  }
0x10c: {  	[sflag:s21] =	ssyncset.done $0x0  }
0x10d: {  	s12 =	sadd.s32 $0xFFFFFFFF, s12;
	[sflag:s21] =	ssyncadd.s32 $0xFFFFF800  }
0x10e: {  	_ =	sfence.sel $0x180000  }
0x10f: {  	[bflag:$0x0] =	sbarrier.arrive $0xFFFF  }
0x110: {  	_ =	strace $0x90000047  }
0x111: {  	s0 =	stileid.u32;
	[bflag:$0x2] =	sbarrier.arrive $0xFFFF  }
0x112: {  	p0 =	sne.s32 s0, $0x0;
	s0 =	rddreg [dreg:$0x4]  }
0x113: {  	s0 =	sadd.s32 @!p0 $0x100000, s0  }
0x114: {  	[sflag:s0] =	ssyncadd.tile.s32 @!p0 $0x1;
	_ =	shalt  }
.Lfunc_end2:
_tile_overlayer_lowered:
.L_overlay_start_2:
0x115: {  	(tag) =	ssettag $0x2  }
0x116: {  	s0 =	rddreg [dreg:$0x0];
	s2 =	stileid.u32  }
0x117: {  	s1 =	rddreg [dreg:$0x1];
	p0 =	sne.s32 s2, $0x0  }
0x118: {  	s3 =	rddreg [dreg:$0x2];
	[bflag:$0x3] =	sbarrier.arrive $0xFFFF;
	s2 =	simm.s32 @!p0 $0x1C05  }
0x119: {  	[timem:s3], [sflag:s2] =	dma.local @!p0 [hbm:s0], s1  }
0x11a: {  	s0 =	simm.s32 @!p0 $0x5  }
0x11b: {  	_ =	swait.ge @!p0 [sflag:s0], s1  }
0x11c: {  	s1 =	ssub.s32 @!p0 $0x0, s1;
	[sflag:s0] =	ssyncset.done @!p0 $0x0  }
0x11d: {  	[sflag:s0] =	ssyncadd.s32 @!p0 s1  }
0x11e: {  	[bflag:$0x3] =	sbarrier.arrive $0xFFFF  }
0x11f: {  	_ =	shalt  }

</sc_bundles>
